<compile_context>
chip_gen: v7x
topology: tpu7x:2x2x1
jax: 0.10.2.dev20260603
libtpu: 0.0.44.dev20260713+nightly
codegen_flags: <defaults>
</compile_context>

<pallas_src>
import jax
import jax.numpy as jnp
from jax import lax
from jax.experimental import pallas as pl
from jax.experimental.pallas import tpu as pltpu
from jax.experimental.pallas import tpu_sc as plsc

ROWS = 8192
CH = 2048
L = 16
NC = 2
NS = 16
NW = NC * NS
ROWS_PER_W = ROWS // NW
RI = 16
RO = 8
N_ICHUNKS = ROWS_PER_W // RI
N_JC = CH // L


def _body(x_hbm, perm_hbm, out_hbm, perm_v, in0_v, in1_v, out0_v, out1_v,
          sem_in0, sem_in1, sem_out0, sem_out1):
    wid = lax.axis_index("c") * NS + lax.axis_index("s")
    base = wid * ROWS_PER_W
    ins = (in0_v, in1_v)
    outs = (out0_v, out1_v)
    sem_ins = (sem_in0, sem_in1)
    sem_outs = (sem_out0, sem_out1)

    def start_in(ii, b):
        pltpu.async_copy(x_hbm.at[pl.ds(base + ii * RI, RI)], ins[b],
                         sem_ins[b])

    def wait_in(b):
        pltpu.make_async_copy(x_hbm.at[pl.ds(base, RI)], ins[b],
                              sem_ins[b]).wait()

    def start_out(oi, b):
        pltpu.async_copy(outs[b], out_hbm.at[pl.ds(base + oi * RO, RO)],
                         sem_outs[b])

    def wait_out(b):
        pltpu.make_async_copy(outs[b], out_hbm.at[pl.ds(base, RO)],
                              sem_outs[b]).wait()

    start_in(0, 0)
    pltpu.sync_copy(perm_hbm, perm_v)

    def ichunk(p, carry):
        for b in range(2):
            ii = 2 * p + b
            wait_in(b)

            @pl.when(ii + 1 < N_ICHUNKS)
            def _():
                start_in(ii + 1, 1 - b)

            in_v = ins[b]
            for h in range(2):
                oi = 2 * ii + h

                @pl.when(oi >= 2)
                def _():
                    wait_out(h)

                out_v = outs[h]

                @plsc.parallel_loop(0, N_JC, unroll=4)
                def _col(j):
                    idx = perm_v[pl.ds(j * L, L)]
                    for r in range(RO):
                        rvec = jnp.full((L,), h * RO + r, jnp.int32)
                        out_v[r, pl.ds(j * L, L)] = plsc.load_gather(
                            in_v, [rvec, idx])

                start_out(oi, h)
        return carry

    lax.fori_loop(0, N_ICHUNKS // 2, ichunk, 0)
    wait_out(0)
    wait_out(1)


@jax.jit
def kernel(x, perm):
    f = pl.kernel(
        _body,
        out_type=jax.ShapeDtypeStruct((ROWS, CH), jnp.float32),
        mesh=plsc.VectorSubcoreMesh(core_axis_name="c", subcore_axis_name="s"),
        scratch_types=[
            pltpu.VMEM((CH,), jnp.int32),
            pltpu.VMEM((RI, CH), jnp.float32),
            pltpu.VMEM((RI, CH), jnp.float32),
            pltpu.VMEM((RO, CH), jnp.float32),
            pltpu.VMEM((RO, CH), jnp.float32),
            pltpu.SemaphoreType.DMA,
            pltpu.SemaphoreType.DMA,
            pltpu.SemaphoreType.DMA,
            pltpu.SemaphoreType.DMA,
        ],
        compiler_params=pltpu.CompilerParams(needs_layout_passes=False),
    )
    return f(x, perm)

# --- scband reference (transcript-rebuilt; emitter-appended) ---
"""Pipeline reference for scband-fixed-permutation-7352984010805 (READ-ONLY COPY).

The authoritative reference and input builder live on the scoring server;
editing this copy changes nothing except your own understanding.
"""

import jax, jax.numpy as jnp
import numpy as np

CHANNELS = 2048
SEED = 42

def setup_inputs(seed: int = 0) -> dict:
    key = jax.random.key(seed)
    x = jax.random.normal(key, (8192, CHANNELS), dtype=jnp.float32)
    rng = np.random.RandomState(SEED)
    perm = jnp.asarray(rng.permutation(CHANNELS), dtype=jnp.int32)
    return {"x": x, "perm": perm}

def reference(x, perm):
    # forward: fixed channel permutation via gather along axis 1
    return jnp.take(x, perm, axis=1)

if __name__ == "__main__":
    import jax
    _d = setup_inputs()
    print(jax.jit(kernel)(*tuple(_d.values())))

</pallas_src>

<mosaic_0001>
#map = affine_map<(d0, d1) -> (0, 0)>
#map1 = affine_map<(d0, d1) -> (0)>
module attributes {stable_mosaic.version = 14 : i64} {
  func.func @_body(%arg0: i32, %arg1: i32, %arg2: memref<8192x2048xf32, #tpu.memory_space<hbm>>, %arg3: memref<2048xi32, #tpu.memory_space<hbm>>, %arg4: memref<8192x2048xf32, #tpu.memory_space<hbm>>, %arg5: memref<2048xi32, #tpu.memory_space<vmem>>, %arg6: memref<16x2048xf32, #tpu.memory_space<vmem>>, %arg7: memref<16x2048xf32, #tpu.memory_space<vmem>>, %arg8: memref<8x2048xf32, #tpu.memory_space<vmem>>, %arg9: memref<8x2048xf32, #tpu.memory_space<vmem>>, %arg10: memref<!tpu.dma_semaphore, #tpu.memory_space<semaphore_mem>>, %arg11: memref<!tpu.dma_semaphore, #tpu.memory_space<semaphore_mem>>, %arg12: memref<!tpu.dma_semaphore, #tpu.memory_space<semaphore_mem>>, %arg13: memref<!tpu.dma_semaphore, #tpu.memory_space<semaphore_mem>>) attributes {dimension_semantics = [#tpu.dimension_semantics<core_parallel>, #tpu.dimension_semantics<subcore_parallel>], iteration_bounds = array<i64: 2, 16>, scalar_prefetch = 0 : i64, scratch_operands = 9 : i64, tpu.core_type = #tpu.core_type<sc_vector_subcore>, window_params = [{transform_indices = #map}, {transform_indices = #map1}, {transform_indices = #map}]} {
    %mul3A = arith.constant 16 : i32
    %mul3A_0 = arith.muli %arg0, %mul3A : i32
    %add3A = arith.addi %mul3A_0, %arg1 : i32
    %mul3A_1 = arith.constant 256 : i32
    %mul3A_2 = arith.muli %add3A, %mul3A_1 : i32
    %add3A_3 = arith.constant 0 : i32
    %add3A_4 = arith.addi %mul3A_2, %add3A_3 : i32
    %dma_start3A = arith.constant 0 : i32
    %dma_start3A_5 = tpu.memref_slice %arg2[%add3A_4, %dma_start3A] : memref<8192x2048xf32, #tpu.memory_space<hbm>> -> memref<16x2048xf32, #tpu.memory_space<hbm>>
    %dma_start3A_6 = arith.constant 0 : i32
    %dma_start3A_7 = tpu.memref_slice %arg2[%add3A_4, %dma_start3A_6] : memref<8192x2048xf32, #tpu.memory_space<hbm>> -> memref<16x2048xf32, #tpu.memory_space<hbm>>
    tpu.enqueue_dma source(%dma_start3A_7 : memref<16x2048xf32, #tpu.memory_space<hbm>>) target(%arg6 : memref<16x2048xf32, #tpu.memory_space<vmem>>) target_semaphore(%arg10 : memref<!tpu.dma_semaphore, #tpu.memory_space<semaphore_mem>>)
    "tpu.region"() ({
      %run_scoped3A = tpu.sem_alloc : memref<!tpu.dma_semaphore, #tpu.memory_space<semaphore_mem>>
      tpu.enqueue_dma source(%arg3 : memref<2048xi32, #tpu.memory_space<hbm>>) target(%arg5 : memref<2048xi32, #tpu.memory_space<vmem>>) target_semaphore(%run_scoped3A : memref<!tpu.dma_semaphore, #tpu.memory_space<semaphore_mem>>)
      tpu.wait_dma2 semaphore(%run_scoped3A : memref<!tpu.dma_semaphore, #tpu.memory_space<semaphore_mem>>) src(%arg3 : memref<2048xi32, #tpu.memory_space<hbm>>) dst(%arg5 : memref<2048xi32, #tpu.memory_space<vmem>>)
      tpu.yield
    }) : () -> ()
    %scan3A = arith.constant 0 : i32
    %scan3A_8 = arith.constant 0 : i32
    %scan3A_9 = arith.constant 8 : i32
    %scan3A_10 = arith.addi %scan3A_8, %scan3A_9 : i32
    %scan3A_11 = arith.constant 1 : i32
    scf.for %scan3A_20 = %scan3A_8 to %scan3A_10 step %scan3A_11  : i32 {
      %mul3A_21 = arith.constant 2 : i32
      %mul3A_22 = arith.muli %mul3A_21, %scan3A_20 : i32
      %add3A_23 = arith.constant 0 : i32
      %add3A_24 = arith.addi %mul3A_22, %add3A_23 : i32
      %dma_wait3A_25 = arith.constant 0 : i32
      %dma_wait3A_26 = tpu.memref_slice %arg2[%mul3A_2, %dma_wait3A_25] : memref<8192x2048xf32, #tpu.memory_space<hbm>> -> memref<16x2048xf32, #tpu.memory_space<hbm>>
      %dma_wait3A_27 = arith.constant 0 : i32
      %dma_wait3A_28 = tpu.memref_slice %arg2[%mul3A_2, %dma_wait3A_27] : memref<8192x2048xf32, #tpu.memory_space<hbm>> -> memref<16x2048xf32, #tpu.memory_space<hbm>>
      tpu.wait_dma2 semaphore(%arg10 : memref<!tpu.dma_semaphore, #tpu.memory_space<semaphore_mem>>) src(%dma_wait3A_28 : memref<16x2048xf32, #tpu.memory_space<hbm>>) dst(%arg6 : memref<16x2048xf32, #tpu.memory_space<vmem>>)
      %add3A_29 = arith.constant 1 : i32
      %add3A_30 = arith.addi %add3A_24, %add3A_29 : i32
      %lt3A = arith.constant 16 : i32
      %lt3A_31 = arith.cmpi slt, %add3A_30, %lt3A : i32
      %convert_element_type3A = arith.extui %lt3A_31 : i1 to i32
      %cond3A = arith.constant 0 : i32
      %cond3A_32 = arith.cmpi ne, %convert_element_type3A, %cond3A : i32
      scf.if %cond3A_32 {
        %add3A_122 = arith.constant 1 : i32
        %add3A_123 = arith.addi %add3A_24, %add3A_122 : i32
        %mul3A_124 = arith.constant 16 : i32
        %mul3A_125 = arith.muli %add3A_123, %mul3A_124 : i32
        %add3A_126 = arith.addi %mul3A_2, %mul3A_125 : i32
        %dma_start3A_127 = arith.constant 0 : i32
        %dma_start3A_128 = tpu.memref_slice %arg2[%add3A_126, %dma_start3A_127] : memref<8192x2048xf32, #tpu.memory_space<hbm>> -> memref<16x2048xf32, #tpu.memory_space<hbm>>
        %dma_start3A_129 = arith.constant 0 : i32
        %dma_start3A_130 = tpu.memref_slice %arg2[%add3A_126, %dma_start3A_129] : memref<8192x2048xf32, #tpu.memory_space<hbm>> -> memref<16x2048xf32, #tpu.memory_space<hbm>>
        tpu.enqueue_dma source(%dma_start3A_130 : memref<16x2048xf32, #tpu.memory_space<hbm>>) target(%arg7 : memref<16x2048xf32, #tpu.memory_space<vmem>>) target_semaphore(%arg11 : memref<!tpu.dma_semaphore, #tpu.memory_space<semaphore_mem>>)
      } else {
      }
      %mul3A_33 = arith.constant 2 : i32
      %mul3A_34 = arith.muli %mul3A_33, %add3A_24 : i32
      %add3A_35 = arith.constant 0 : i32
      %add3A_36 = arith.addi %mul3A_34, %add3A_35 : i32
      %ge3A = arith.constant 2 : i32
      %ge3A_37 = arith.cmpi sge, %add3A_36, %ge3A : i32
      %convert_element_type3A_38 = arith.extui %ge3A_37 : i1 to i32
      %cond3A_39 = arith.constant 0 : i32
      %cond3A_40 = arith.cmpi ne, %convert_element_type3A_38, %cond3A_39 : i32
      scf.if %cond3A_40 {
        %dma_wait3A_122 = arith.constant 0 : i32
        %dma_wait3A_123 = tpu.memref_slice %arg4[%mul3A_2, %dma_wait3A_122] : memref<8192x2048xf32, #tpu.memory_space<hbm>> -> memref<8x2048xf32, #tpu.memory_space<hbm>>
        %dma_wait3A_124 = arith.constant 0 : i32
        %dma_wait3A_125 = tpu.memref_slice %arg4[%mul3A_2, %dma_wait3A_124] : memref<8192x2048xf32, #tpu.memory_space<hbm>> -> memref<8x2048xf32, #tpu.memory_space<hbm>>
        tpu.wait_dma2 semaphore(%arg12 : memref<!tpu.dma_semaphore, #tpu.memory_space<semaphore_mem>>) src(%arg8 : memref<8x2048xf32, #tpu.memory_space<vmem>>) dst(%dma_wait3A_125 : memref<8x2048xf32, #tpu.memory_space<hbm>>)
      } else {
      }
      %parallel_loop3A = arith.constant 0 : i32
      %parallel_loop3A_41 = arith.constant 128 : i32
      %parallel_loop3A_42 = arith.constant 1 : i32
      scf.for %parallel_loop3A_122 = %parallel_loop3A to %parallel_loop3A_41 step %parallel_loop3A_42  : i32 {
        %parallel_loop3A_123 = arith.constant 16 : i32
        %parallel_loop3A_124 = arith.muli %parallel_loop3A_122, %parallel_loop3A_123 : i32
        %parallel_loop3A_125 = arith.index_cast %parallel_loop3A_124 : i32 to index
        %parallel_loop3A_126 = tpu.vector_load %arg5[%parallel_loop3A_125] {strides = array<i32>} : memref<2048xi32, #tpu.memory_space<vmem>>, vector<16xi32>,
        %parallel_loop3A_127 = arith.constant 0 : i32
        %parallel_loop3A_128 = vector.broadcast %parallel_loop3A_127 : i32 to vector<16xi32>
        %parallel_loop3A_129 = tpu.vector_load_idx %arg6[%parallel_loop3A_128, %parallel_loop3A_126] : memref<16x2048xf32, #tpu.memory_space<vmem>>[vector<16xi32>, vector<16xi32>], vector<16xf32>,
        %parallel_loop3A_130 = arith.constant 16 : i32
        %parallel_loop3A_131 = arith.muli %parallel_loop3A_122, %parallel_loop3A_130 : i32
        %parallel_loop3A_132 = arith.constant 0 : i32
        %parallel_loop3A_133 = arith.index_cast %parallel_loop3A_132 : i32 to index
        %parallel_loop3A_134 = arith.index_cast %parallel_loop3A_131 : i32 to index
        %parallel_loop3A_135 = tpu.vector_load %arg8[%parallel_loop3A_133, %parallel_loop3A_134] {strides = array<i32>} : memref<8x2048xf32, #tpu.memory_space<vmem>>, vector<16xf32>,
        tpu.vector_store %arg8[%parallel_loop3A_133, %parallel_loop3A_134], %parallel_loop3A_129 {strides = array<i32>} : memref<8x2048xf32, #tpu.memory_space<vmem>>, vector<16xf32>,
        %parallel_loop3A_136 = arith.constant 1 : i32
        %parallel_loop3A_137 = vector.broadcast %parallel_loop3A_136 : i32 to vector<16xi32>
        %parallel_loop3A_138 = tpu.vector_load_idx %arg6[%parallel_loop3A_137, %parallel_loop3A_126] : memref<16x2048xf32, #tpu.memory_space<vmem>>[vector<16xi32>, vector<16xi32>], vector<16xf32>,
        %parallel_loop3A_139 = arith.constant 16 : i32
        %parallel_loop3A_140 = arith.muli %parallel_loop3A_122, %parallel_loop3A_139 : i32
        %parallel_loop3A_141 = arith.constant 1 : i32
        %parallel_loop3A_142 = arith.index_cast %parallel_loop3A_141 : i32 to index
        %parallel_loop3A_143 = arith.index_cast %parallel_loop3A_140 : i32 to index
        %parallel_loop3A_144 = tpu.vector_load %arg8[%parallel_loop3A_142, %parallel_loop3A_143] {strides = array<i32>} : memref<8x2048xf32, #tpu.memory_space<vmem>>, vector<16xf32>,
        tpu.vector_store %arg8[%parallel_loop3A_142, %parallel_loop3A_143], %parallel_loop3A_138 {strides = array<i32>} : memref<8x2048xf32, #tpu.memory_space<vmem>>, vector<16xf32>,
        %parallel_loop3A_145 = arith.constant 2 : i32
        %parallel_loop3A_146 = vector.broadcast %parallel_loop3A_145 : i32 to vector<16xi32>
        %parallel_loop3A_147 = tpu.vector_load_idx %arg6[%parallel_loop3A_146, %parallel_loop3A_126] : memref<16x2048xf32, #tpu.memory_space<vmem>>[vector<16xi32>, vector<16xi32>], vector<16xf32>,
        %parallel_loop3A_148 = arith.constant 16 : i32
        %parallel_loop3A_149 = arith.muli %parallel_loop3A_122, %parallel_loop3A_148 : i32
        %parallel_loop3A_150 = arith.constant 2 : i32
        %parallel_loop3A_151 = arith.index_cast %parallel_loop3A_150 : i32 to index
        %parallel_loop3A_152 = arith.index_cast %parallel_loop3A_149 : i32 to index
        %parallel_loop3A_153 = tpu.vector_load %arg8[%parallel_loop3A_151, %parallel_loop3A_152] {strides = array<i32>} : memref<8x2048xf32, #tpu.memory_space<vmem>>, vector<16xf32>,
        tpu.vector_store %arg8[%parallel_loop3A_151, %parallel_loop3A_152], %parallel_loop3A_147 {strides = array<i32>} : memref<8x2048xf32, #tpu.memory_space<vmem>>, vector<16xf32>,
        %parallel_loop3A_154 = arith.constant 3 : i32
        %parallel_loop3A_155 = vector.broadcast %parallel_loop3A_154 : i32 to vector<16xi32>
        %parallel_loop3A_156 = tpu.vector_load_idx %arg6[%parallel_loop3A_155, %parallel_loop3A_126] : memref<16x2048xf32, #tpu.memory_space<vmem>>[vector<16xi32>, vector<16xi32>], vector<16xf32>,
        %parallel_loop3A_157 = arith.constant 16 : i32
        %parallel_loop3A_158 = arith.muli %parallel_loop3A_122, %parallel_loop3A_157 : i32
        %parallel_loop3A_159 = arith.constant 3 : i32
        %parallel_loop3A_160 = arith.index_cast %parallel_loop3A_159 : i32 to index
        %parallel_loop3A_161 = arith.index_cast %parallel_loop3A_158 : i32 to index
        %parallel_loop3A_162 = tpu.vector_load %arg8[%parallel_loop3A_160, %parallel_loop3A_161] {strides = array<i32>} : memref<8x2048xf32, #tpu.memory_space<vmem>>, vector<16xf32>,
        tpu.vector_store %arg8[%parallel_loop3A_160, %parallel_loop3A_161], %parallel_loop3A_156 {strides = array<i32>} : memref<8x2048xf32, #tpu.memory_space<vmem>>, vector<16xf32>,
        %parallel_loop3A_163 = arith.constant 4 : i32
        %parallel_loop3A_164 = vector.broadcast %parallel_loop3A_163 : i32 to vector<16xi32>
        %parallel_loop3A_165 = tpu.vector_load_idx %arg6[%parallel_loop3A_164, %parallel_loop3A_126] : memref<16x2048xf32, #tpu.memory_space<vmem>>[vector<16xi32>, vector<16xi32>], vector<16xf32>,
        %parallel_loop3A_166 = arith.constant 16 : i32
        %parallel_loop3A_167 = arith.muli %parallel_loop3A_122, %parallel_loop3A_166 : i32
        %parallel_loop3A_168 = arith.constant 4 : i32
        %parallel_loop3A_169 = arith.index_cast %parallel_loop3A_168 : i32 to index
        %parallel_loop3A_170 = arith.index_cast %parallel_loop3A_167 : i32 to index
        %parallel_loop3A_171 = tpu.vector_load %arg8[%parallel_loop3A_169, %parallel_loop3A_170] {strides = array<i32>} : memref<8x2048xf32, #tpu.memory_space<vmem>>, vector<16xf32>,
        tpu.vector_store %arg8[%parallel_loop3A_169, %parallel_loop3A_170], %parallel_loop3A_165 {strides = array<i32>} : memref<8x2048xf32, #tpu.memory_space<vmem>>, vector<16xf32>,
        %parallel_loop3A_172 = arith.constant 5 : i32
        %parallel_loop3A_173 = vector.broadcast %parallel_loop3A_172 : i32 to vector<16xi32>
        %parallel_loop3A_174 = tpu.vector_load_idx %arg6[%parallel_loop3A_173, %parallel_loop3A_126] : memref<16x2048xf32, #tpu.memory_space<vmem>>[vector<16xi32>, vector<16xi32>], vector<16xf32>,
        %parallel_loop3A_175 = arith.constant 16 : i32
        %parallel_loop3A_176 = arith.muli %parallel_loop3A_122, %parallel_loop3A_175 : i32
        %parallel_loop3A_177 = arith.constant 5 : i32
        %parallel_loop3A_178 = arith.index_cast %parallel_loop3A_177 : i32 to index
        %parallel_loop3A_179 = arith.index_cast %parallel_loop3A_176 : i32 to index
        %parallel_loop3A_180 = tpu.vector_load %arg8[%parallel_loop3A_178, %parallel_loop3A_179] {strides = array<i32>} : memref<8x2048xf32, #tpu.memory_space<vmem>>, vector<16xf32>,
        tpu.vector_store %arg8[%parallel_loop3A_178, %parallel_loop3A_179], %parallel_loop3A_174 {strides = array<i32>} : memref<8x2048xf32, #tpu.memory_space<vmem>>, vector<16xf32>,
        %parallel_loop3A_181 = arith.constant 6 : i32
        %parallel_loop3A_182 = vector.broadcast %parallel_loop3A_181 : i32 to vector<16xi32>
        %parallel_loop3A_183 = tpu.vector_load_idx %arg6[%parallel_loop3A_182, %parallel_loop3A_126] : memref<16x2048xf32, #tpu.memory_space<vmem>>[vector<16xi32>, vector<16xi32>], vector<16xf32>,
        %parallel_loop3A_184 = arith.constant 16 : i32
        %parallel_loop3A_185 = arith.muli %parallel_loop3A_122, %parallel_loop3A_184 : i32
        %parallel_loop3A_186 = arith.constant 6 : i32
        %parallel_loop3A_187 = arith.index_cast %parallel_loop3A_186 : i32 to index
        %parallel_loop3A_188 = arith.index_cast %parallel_loop3A_185 : i32 to index
        %parallel_loop3A_189 = tpu.vector_load %arg8[%parallel_loop3A_187, %parallel_loop3A_188] {strides = array<i32>} : memref<8x2048xf32, #tpu.memory_space<vmem>>, vector<16xf32>,
        tpu.vector_store %arg8[%parallel_loop3A_187, %parallel_loop3A_188], %parallel_loop3A_183 {strides = array<i32>} : memref<8x2048xf32, #tpu.memory_space<vmem>>, vector<16xf32>,
        %parallel_loop3A_190 = arith.constant 7 : i32
        %parallel_loop3A_191 = vector.broadcast %parallel_loop3A_190 : i32 to vector<16xi32>
        %parallel_loop3A_192 = tpu.vector_load_idx %arg6[%parallel_loop3A_191, %parallel_loop3A_126] : memref<16x2048xf32, #tpu.memory_space<vmem>>[vector<16xi32>, vector<16xi32>], vector<16xf32>,
        %parallel_loop3A_193 = arith.constant 16 : i32
        %parallel_loop3A_194 = arith.muli %parallel_loop3A_122, %parallel_loop3A_193 : i32
        %parallel_loop3A_195 = arith.constant 7 : i32
        %parallel_loop3A_196 = arith.index_cast %parallel_loop3A_195 : i32 to index
        %parallel_loop3A_197 = arith.index_cast %parallel_loop3A_194 : i32 to index
        %parallel_loop3A_198 = tpu.vector_load %arg8[%parallel_loop3A_196, %parallel_loop3A_197] {strides = array<i32>} : memref<8x2048xf32, #tpu.memory_space<vmem>>, vector<16xf32>,
        tpu.vector_store %arg8[%parallel_loop3A_196, %parallel_loop3A_197], %parallel_loop3A_192 {strides = array<i32>} : memref<8x2048xf32, #tpu.memory_space<vmem>>, vector<16xf32>,
      } {sc.loop_unroll_factor = 4 : i64, sc.parallel_access}
      %mul3A_43 = arith.constant 8 : i32
      %mul3A_44 = arith.muli %add3A_36, %mul3A_43 : i32
      %add3A_45 = arith.addi %mul3A_2, %mul3A_44 : i32
      %dma_start3A_46 = arith.constant 0 : i32
      %dma_start3A_47 = tpu.memref_slice %arg4[%add3A_45, %dma_start3A_46] : memref<8192x2048xf32, #tpu.memory_space<hbm>> -> memref<8x2048xf32, #tpu.memory_space<hbm>>
      %dma_start3A_48 = arith.constant 0 : i32
      %dma_start3A_49 = tpu.memref_slice %arg4[%add3A_45, %dma_start3A_48] : memref<8192x2048xf32, #tpu.memory_space<hbm>> -> memref<8x2048xf32, #tpu.memory_space<hbm>>
      tpu.enqueue_dma source(%arg8 : memref<8x2048xf32, #tpu.memory_space<vmem>>) target(%dma_start3A_49 : memref<8x2048xf32, #tpu.memory_space<hbm>>) target_semaphore(%arg12 : memref<!tpu.dma_semaphore, #tpu.memory_space<semaphore_mem>>)
      %mul3A_50 = arith.constant 2 : i32
      %mul3A_51 = arith.muli %mul3A_50, %add3A_24 : i32
      %add3A_52 = arith.constant 1 : i32
      %add3A_53 = arith.addi %mul3A_51, %add3A_52 : i32
      %ge3A_54 = arith.constant 2 : i32
      %ge3A_55 = arith.cmpi sge, %add3A_53, %ge3A_54 : i32
      %convert_element_type3A_56 = arith.extui %ge3A_55 : i1 to i32
      %cond3A_57 = arith.constant 0 : i32
      %cond3A_58 = arith.cmpi ne, %convert_element_type3A_56, %cond3A_57 : i32
      scf.if %cond3A_58 {
        %dma_wait3A_122 = arith.constant 0 : i32
        %dma_wait3A_123 = tpu.memref_slice %arg4[%mul3A_2, %dma_wait3A_122] : memref<8192x2048xf32, #tpu.memory_space<hbm>> -> memref<8x2048xf32, #tpu.memory_space<hbm>>
        %dma_wait3A_124 = arith.constant 0 : i32
        %dma_wait3A_125 = tpu.memref_slice %arg4[%mul3A_2, %dma_wait3A_124] : memref<8192x2048xf32, #tpu.memory_space<hbm>> -> memref<8x2048xf32, #tpu.memory_space<hbm>>
        tpu.wait_dma2 semaphore(%arg13 : memref<!tpu.dma_semaphore, #tpu.memory_space<semaphore_mem>>) src(%arg9 : memref<8x2048xf32, #tpu.memory_space<vmem>>) dst(%dma_wait3A_125 : memref<8x2048xf32, #tpu.memory_space<hbm>>)
      } else {
      }
      %parallel_loop3A_59 = arith.constant 0 : i32
      %parallel_loop3A_60 = arith.constant 128 : i32
      %parallel_loop3A_61 = arith.constant 1 : i32
      scf.for %parallel_loop3A_122 = %parallel_loop3A_59 to %parallel_loop3A_60 step %parallel_loop3A_61  : i32 {
        %parallel_loop3A_123 = arith.constant 16 : i32
        %parallel_loop3A_124 = arith.muli %parallel_loop3A_122, %parallel_loop3A_123 : i32
        %parallel_loop3A_125 = arith.index_cast %parallel_loop3A_124 : i32 to index
        %parallel_loop3A_126 = tpu.vector_load %arg5[%parallel_loop3A_125] {strides = array<i32>} : memref<2048xi32, #tpu.memory_space<vmem>>, vector<16xi32>,
        %parallel_loop3A_127 = arith.constant 8 : i32
        %parallel_loop3A_128 = vector.broadcast %parallel_loop3A_127 : i32 to vector<16xi32>
        %parallel_loop3A_129 = tpu.vector_load_idx %arg6[%parallel_loop3A_128, %parallel_loop3A_126] : memref<16x2048xf32, #tpu.memory_space<vmem>>[vector<16xi32>, vector<16xi32>], vector<16xf32>,
        %parallel_loop3A_130 = arith.constant 16 : i32
        %parallel_loop3A_131 = arith.muli %parallel_loop3A_122, %parallel_loop3A_130 : i32
        %parallel_loop3A_132 = arith.constant 0 : i32
        %parallel_loop3A_133 = arith.index_cast %parallel_loop3A_132 : i32 to index
        %parallel_loop3A_134 = arith.index_cast %parallel_loop3A_131 : i32 to index
        %parallel_loop3A_135 = tpu.vector_load %arg9[%parallel_loop3A_133, %parallel_loop3A_134] {strides = array<i32>} : memref<8x2048xf32, #tpu.memory_space<vmem>>, vector<16xf32>,
        tpu.vector_store %arg9[%parallel_loop3A_133, %parallel_loop3A_134], %parallel_loop3A_129 {strides = array<i32>} : memref<8x2048xf32, #tpu.memory_space<vmem>>, vector<16xf32>,
        %parallel_loop3A_136 = arith.constant 9 : i32
        %parallel_loop3A_137 = vector.broadcast %parallel_loop3A_136 : i32 to vector<16xi32>
        %parallel_loop3A_138 = tpu.vector_load_idx %arg6[%parallel_loop3A_137, %parallel_loop3A_126] : memref<16x2048xf32, #tpu.memory_space<vmem>>[vector<16xi32>, vector<16xi32>], vector<16xf32>,
        %parallel_loop3A_139 = arith.constant 16 : i32
        %parallel_loop3A_140 = arith.muli %parallel_loop3A_122, %parallel_loop3A_139 : i32
        %parallel_loop3A_141 = arith.constant 1 : i32
        %parallel_loop3A_142 = arith.index_cast %parallel_loop3A_141 : i32 to index
        %parallel_loop3A_143 = arith.index_cast %parallel_loop3A_140 : i32 to index
        %parallel_loop3A_144 = tpu.vector_load %arg9[%parallel_loop3A_142, %parallel_loop3A_143] {strides = array<i32>} : memref<8x2048xf32, #tpu.memory_space<vmem>>, vector<16xf32>,
        tpu.vector_store %arg9[%parallel_loop3A_142, %parallel_loop3A_143], %parallel_loop3A_138 {strides = array<i32>} : memref<8x2048xf32, #tpu.memory_space<vmem>>, vector<16xf32>,
        %parallel_loop3A_145 = arith.constant 10 : i32
        %parallel_loop3A_146 = vector.broadcast %parallel_loop3A_145 : i32 to vector<16xi32>
        %parallel_loop3A_147 = tpu.vector_load_idx %arg6[%parallel_loop3A_146, %parallel_loop3A_126] : memref<16x2048xf32, #tpu.memory_space<vmem>>[vector<16xi32>, vector<16xi32>], vector<16xf32>,
        %parallel_loop3A_148 = arith.constant 16 : i32
        %parallel_loop3A_149 = arith.muli %parallel_loop3A_122, %parallel_loop3A_148 : i32
        %parallel_loop3A_150 = arith.constant 2 : i32
        %parallel_loop3A_151 = arith.index_cast %parallel_loop3A_150 : i32 to index
        %parallel_loop3A_152 = arith.index_cast %parallel_loop3A_149 : i32 to index
        %parallel_loop3A_153 = tpu.vector_load %arg9[%parallel_loop3A_151, %parallel_loop3A_152] {strides = array<i32>} : memref<8x2048xf32, #tpu.memory_space<vmem>>, vector<16xf32>,
        tpu.vector_store %arg9[%parallel_loop3A_151, %parallel_loop3A_152], %parallel_loop3A_147 {strides = array<i32>} : memref<8x2048xf32, #tpu.memory_space<vmem>>, vector<16xf32>,
        %parallel_loop3A_154 = arith.constant 11 : i32
        %parallel_loop3A_155 = vector.broadcast %parallel_loop3A_154 : i32 to vector<16xi32>
        %parallel_loop3A_156 = tpu.vector_load_idx %arg6[%parallel_loop3A_155, %parallel_loop3A_126] : memref<16x2048xf32, #tpu.memory_space<vmem>>[vector<16xi32>, vector<16xi32>], vector<16xf32>,
        %parallel_loop3A_157 = arith.constant 16 : i32
        %parallel_loop3A_158 = arith.muli %parallel_loop3A_122, %parallel_loop3A_157 : i32
        %parallel_loop3A_159 = arith.constant 3 : i32
        %parallel_loop3A_160 = arith.index_cast %parallel_loop3A_159 : i32 to index
        %parallel_loop3A_161 = arith.index_cast %parallel_loop3A_158 : i32 to index
        %parallel_loop3A_162 = tpu.vector_load %arg9[%parallel_loop3A_160, %parallel_loop3A_161] {strides = array<i32>} : memref<8x2048xf32, #tpu.memory_space<vmem>>, vector<16xf32>,
        tpu.vector_store %arg9[%parallel_loop3A_160, %parallel_loop3A_161], %parallel_loop3A_156 {strides = array<i32>} : memref<8x2048xf32, #tpu.memory_space<vmem>>, vector<16xf32>,
        %parallel_loop3A_163 = arith.constant 12 : i32
        %parallel_loop3A_164 = vector.broadcast %parallel_loop3A_163 : i32 to vector<16xi32>
        %parallel_loop3A_165 = tpu.vector_load_idx %arg6[%parallel_loop3A_164, %parallel_loop3A_126] : memref<16x2048xf32, #tpu.memory_space<vmem>>[vector<16xi32>, vector<16xi32>], vector<16xf32>,
        %parallel_loop3A_166 = arith.constant 16 : i32
        %parallel_loop3A_167 = arith.muli %parallel_loop3A_122, %parallel_loop3A_166 : i32
        %parallel_loop3A_168 = arith.constant 4 : i32
        %parallel_loop3A_169 = arith.index_cast %parallel_loop3A_168 : i32 to index
        %parallel_loop3A_170 = arith.index_cast %parallel_loop3A_167 : i32 to index
        %parallel_loop3A_171 = tpu.vector_load %arg9[%parallel_loop3A_169, %parallel_loop3A_170] {strides = array<i32>} : memref<8x2048xf32, #tpu.memory_space<vmem>>, vector<16xf32>,
        tpu.vector_store %arg9[%parallel_loop3A_169, %parallel_loop3A_170], %parallel_loop3A_165 {strides = array<i32>} : memref<8x2048xf32, #tpu.memory_space<vmem>>, vector<16xf32>,
        %parallel_loop3A_172 = arith.constant 13 : i32
        %parallel_loop3A_173 = vector.broadcast %parallel_loop3A_172 : i32 to vector<16xi32>
        %parallel_loop3A_174 = tpu.vector_load_idx %arg6[%parallel_loop3A_173, %parallel_loop3A_126] : memref<16x2048xf32, #tpu.memory_space<vmem>>[vector<16xi32>, vector<16xi32>], vector<16xf32>,
        %parallel_loop3A_175 = arith.constant 16 : i32
        %parallel_loop3A_176 = arith.muli %parallel_loop3A_122, %parallel_loop3A_175 : i32
        %parallel_loop3A_177 = arith.constant 5 : i32
        %parallel_loop3A_178 = arith.index_cast %parallel_loop3A_177 : i32 to index
        %parallel_loop3A_179 = arith.index_cast %parallel_loop3A_176 : i32 to index
        %parallel_loop3A_180 = tpu.vector_load %arg9[%parallel_loop3A_178, %parallel_loop3A_179] {strides = array<i32>} : memref<8x2048xf32, #tpu.memory_space<vmem>>, vector<16xf32>,
        tpu.vector_store %arg9[%parallel_loop3A_178, %parallel_loop3A_179], %parallel_loop3A_174 {strides = array<i32>} : memref<8x2048xf32, #tpu.memory_space<vmem>>, vector<16xf32>,
        %parallel_loop3A_181 = arith.constant 14 : i32
        %parallel_loop3A_182 = vector.broadcast %parallel_loop3A_181 : i32 to vector<16xi32>
        %parallel_loop3A_183 = tpu.vector_load_idx %arg6[%parallel_loop3A_182, %parallel_loop3A_126] : memref<16x2048xf32, #tpu.memory_space<vmem>>[vector<16xi32>, vector<16xi32>], vector<16xf32>,
        %parallel_loop3A_184 = arith.constant 16 : i32
        %parallel_loop3A_185 = arith.muli %parallel_loop3A_122, %parallel_loop3A_184 : i32
        %parallel_loop3A_186 = arith.constant 6 : i32
        %parallel_loop3A_187 = arith.index_cast %parallel_loop3A_186 : i32 to index
        %parallel_loop3A_188 = arith.index_cast %parallel_loop3A_185 : i32 to index
        %parallel_loop3A_189 = tpu.vector_load %arg9[%parallel_loop3A_187, %parallel_loop3A_188] {strides = array<i32>} : memref<8x2048xf32, #tpu.memory_space<vmem>>, vector<16xf32>,
        tpu.vector_store %arg9[%parallel_loop3A_187, %parallel_loop3A_188], %parallel_loop3A_183 {strides = array<i32>} : memref<8x2048xf32, #tpu.memory_space<vmem>>, vector<16xf32>,
        %parallel_loop3A_190 = arith.constant 15 : i32
        %parallel_loop3A_191 = vector.broadcast %parallel_loop3A_190 : i32 to vector<16xi32>
        %parallel_loop3A_192 = tpu.vector_load_idx %arg6[%parallel_loop3A_191, %parallel_loop3A_126] : memref<16x2048xf32, #tpu.memory_space<vmem>>[vector<16xi32>, vector<16xi32>], vector<16xf32>,
        %parallel_loop3A_193 = arith.constant 16 : i32
        %parallel_loop3A_194 = arith.muli %parallel_loop3A_122, %parallel_loop3A_193 : i32
        %parallel_loop3A_195 = arith.constant 7 : i32
        %parallel_loop3A_196 = arith.index_cast %parallel_loop3A_195 : i32 to index
        %parallel_loop3A_197 = arith.index_cast %parallel_loop3A_194 : i32 to index
        %parallel_loop3A_198 = tpu.vector_load %arg9[%parallel_loop3A_196, %parallel_loop3A_197] {strides = array<i32>} : memref<8x2048xf32, #tpu.memory_space<vmem>>, vector<16xf32>,
        tpu.vector_store %arg9[%parallel_loop3A_196, %parallel_loop3A_197], %parallel_loop3A_192 {strides = array<i32>} : memref<8x2048xf32, #tpu.memory_space<vmem>>, vector<16xf32>,
      } {sc.loop_unroll_factor = 4 : i64, sc.parallel_access}
      %mul3A_62 = arith.constant 8 : i32
      %mul3A_63 = arith.muli %add3A_53, %mul3A_62 : i32
      %add3A_64 = arith.addi %mul3A_2, %mul3A_63 : i32
      %dma_start3A_65 = arith.constant 0 : i32
      %dma_start3A_66 = tpu.memref_slice %arg4[%add3A_64, %dma_start3A_65] : memref<8192x2048xf32, #tpu.memory_space<hbm>> -> memref<8x2048xf32, #tpu.memory_space<hbm>>
      %dma_start3A_67 = arith.constant 0 : i32
      %dma_start3A_68 = tpu.memref_slice %arg4[%add3A_64, %dma_start3A_67] : memref<8192x2048xf32, #tpu.memory_space<hbm>> -> memref<8x2048xf32, #tpu.memory_space<hbm>>
      tpu.enqueue_dma source(%arg9 : memref<8x2048xf32, #tpu.memory_space<vmem>>) target(%dma_start3A_68 : memref<8x2048xf32, #tpu.memory_space<hbm>>) target_semaphore(%arg13 : memref<!tpu.dma_semaphore, #tpu.memory_space<semaphore_mem>>)
      %mul3A_69 = arith.constant 2 : i32
      %mul3A_70 = arith.muli %mul3A_69, %scan3A_20 : i32
      %add3A_71 = arith.constant 1 : i32
      %add3A_72 = arith.addi %mul3A_70, %add3A_71 : i32
      %dma_wait3A_73 = arith.constant 0 : i32
      %dma_wait3A_74 = tpu.memref_slice %arg2[%mul3A_2, %dma_wait3A_73] : memref<8192x2048xf32, #tpu.memory_space<hbm>> -> memref<16x2048xf32, #tpu.memory_space<hbm>>
      %dma_wait3A_75 = arith.constant 0 : i32
      %dma_wait3A_76 = tpu.memref_slice %arg2[%mul3A_2, %dma_wait3A_75] : memref<8192x2048xf32, #tpu.memory_space<hbm>> -> memref<16x2048xf32, #tpu.memory_space<hbm>>
      tpu.wait_dma2 semaphore(%arg11 : memref<!tpu.dma_semaphore, #tpu.memory_space<semaphore_mem>>) src(%dma_wait3A_76 : memref<16x2048xf32, #tpu.memory_space<hbm>>) dst(%arg7 : memref<16x2048xf32, #tpu.memory_space<vmem>>)
      %add3A_77 = arith.constant 1 : i32
      %add3A_78 = arith.addi %add3A_72, %add3A_77 : i32
      %lt3A_79 = arith.constant 16 : i32
      %lt3A_80 = arith.cmpi slt, %add3A_78, %lt3A_79 : i32
      %convert_element_type3A_81 = arith.extui %lt3A_80 : i1 to i32
      %cond3A_82 = arith.constant 0 : i32
      %cond3A_83 = arith.cmpi ne, %convert_element_type3A_81, %cond3A_82 : i32
      scf.if %cond3A_83 {
        %add3A_122 = arith.constant 1 : i32
        %add3A_123 = arith.addi %add3A_72, %add3A_122 : i32
        %mul3A_124 = arith.constant 16 : i32
        %mul3A_125 = arith.muli %add3A_123, %mul3A_124 : i32
        %add3A_126 = arith.addi %mul3A_2, %mul3A_125 : i32
        %dma_start3A_127 = arith.constant 0 : i32
        %dma_start3A_128 = tpu.memref_slice %arg2[%add3A_126, %dma_start3A_127] : memref<8192x2048xf32, #tpu.memory_space<hbm>> -> memref<16x2048xf32, #tpu.memory_space<hbm>>
        %dma_start3A_129 = arith.constant 0 : i32
        %dma_start3A_130 = tpu.memref_slice %arg2[%add3A_126, %dma_start3A_129] : memref<8192x2048xf32, #tpu.memory_space<hbm>> -> memref<16x2048xf32, #tpu.memory_space<hbm>>
        tpu.enqueue_dma source(%dma_start3A_130 : memref<16x2048xf32, #tpu.memory_space<hbm>>) target(%arg6 : memref<16x2048xf32, #tpu.memory_space<vmem>>) target_semaphore(%arg10 : memref<!tpu.dma_semaphore, #tpu.memory_space<semaphore_mem>>)
      } else {
      }
      %mul3A_84 = arith.constant 2 : i32
      %mul3A_85 = arith.muli %mul3A_84, %add3A_72 : i32
      %add3A_86 = arith.constant 0 : i32
      %add3A_87 = arith.addi %mul3A_85, %add3A_86 : i32
      %ge3A_88 = arith.constant 2 : i32
      %ge3A_89 = arith.cmpi sge, %add3A_87, %ge3A_88 : i32
      %convert_element_type3A_90 = arith.extui %ge3A_89 : i1 to i32
      %cond3A_91 = arith.constant 0 : i32
      %cond3A_92 = arith.cmpi ne, %convert_element_type3A_90, %cond3A_91 : i32
      scf.if %cond3A_92 {
        %dma_wait3A_122 = arith.constant 0 : i32
        %dma_wait3A_123 = tpu.memref_slice %arg4[%mul3A_2, %dma_wait3A_122] : memref<8192x2048xf32, #tpu.memory_space<hbm>> -> memref<8x2048xf32, #tpu.memory_space<hbm>>
        %dma_wait3A_124 = arith.constant 0 : i32
        %dma_wait3A_125 = tpu.memref_slice %arg4[%mul3A_2, %dma_wait3A_124] : memref<8192x2048xf32, #tpu.memory_space<hbm>> -> memref<8x2048xf32, #tpu.memory_space<hbm>>
        tpu.wait_dma2 semaphore(%arg12 : memref<!tpu.dma_semaphore, #tpu.memory_space<semaphore_mem>>) src(%arg8 : memref<8x2048xf32, #tpu.memory_space<vmem>>) dst(%dma_wait3A_125 : memref<8x2048xf32, #tpu.memory_space<hbm>>)
      } else {
      }
      %parallel_loop3A_93 = arith.constant 0 : i32
      %parallel_loop3A_94 = arith.constant 128 : i32
      %parallel_loop3A_95 = arith.constant 1 : i32
      scf.for %parallel_loop3A_122 = %parallel_loop3A_93 to %parallel_loop3A_94 step %parallel_loop3A_95  : i32 {
        %parallel_loop3A_123 = arith.constant 16 : i32
        %parallel_loop3A_124 = arith.muli %parallel_loop3A_122, %parallel_loop3A_123 : i32
        %parallel_loop3A_125 = arith.index_cast %parallel_loop3A_124 : i32 to index
        %parallel_loop3A_126 = tpu.vector_load %arg5[%parallel_loop3A_125] {strides = array<i32>} : memref<2048xi32, #tpu.memory_space<vmem>>, vector<16xi32>,
        %parallel_loop3A_127 = arith.constant 0 : i32
        %parallel_loop3A_128 = vector.broadcast %parallel_loop3A_127 : i32 to vector<16xi32>
        %parallel_loop3A_129 = tpu.vector_load_idx %arg7[%parallel_loop3A_128, %parallel_loop3A_126] : memref<16x2048xf32, #tpu.memory_space<vmem>>[vector<16xi32>, vector<16xi32>], vector<16xf32>,
        %parallel_loop3A_130 = arith.constant 16 : i32
        %parallel_loop3A_131 = arith.muli %parallel_loop3A_122, %parallel_loop3A_130 : i32
        %parallel_loop3A_132 = arith.constant 0 : i32
        %parallel_loop3A_133 = arith.index_cast %parallel_loop3A_132 : i32 to index
        %parallel_loop3A_134 = arith.index_cast %parallel_loop3A_131 : i32 to index
        %parallel_loop3A_135 = tpu.vector_load %arg8[%parallel_loop3A_133, %parallel_loop3A_134] {strides = array<i32>} : memref<8x2048xf32, #tpu.memory_space<vmem>>, vector<16xf32>,
        tpu.vector_store %arg8[%parallel_loop3A_133, %parallel_loop3A_134], %parallel_loop3A_129 {strides = array<i32>} : memref<8x2048xf32, #tpu.memory_space<vmem>>, vector<16xf32>,
        %parallel_loop3A_136 = arith.constant 1 : i32
        %parallel_loop3A_137 = vector.broadcast %parallel_loop3A_136 : i32 to vector<16xi32>
        %parallel_loop3A_138 = tpu.vector_load_idx %arg7[%parallel_loop3A_137, %parallel_loop3A_126] : memref<16x2048xf32, #tpu.memory_space<vmem>>[vector<16xi32>, vector<16xi32>], vector<16xf32>,
        %parallel_loop3A_139 = arith.constant 16 : i32
        %parallel_loop3A_140 = arith.muli %parallel_loop3A_122, %parallel_loop3A_139 : i32
        %parallel_loop3A_141 = arith.constant 1 : i32
        %parallel_loop3A_142 = arith.index_cast %parallel_loop3A_141 : i32 to index
        %parallel_loop3A_143 = arith.index_cast %parallel_loop3A_140 : i32 to index
        %parallel_loop3A_144 = tpu.vector_load %arg8[%parallel_loop3A_142, %parallel_loop3A_143] {strides = array<i32>} : memref<8x2048xf32, #tpu.memory_space<vmem>>, vector<16xf32>,
        tpu.vector_store %arg8[%parallel_loop3A_142, %parallel_loop3A_143], %parallel_loop3A_138 {strides = array<i32>} : memref<8x2048xf32, #tpu.memory_space<vmem>>, vector<16xf32>,
        %parallel_loop3A_145 = arith.constant 2 : i32
        %parallel_loop3A_146 = vector.broadcast %parallel_loop3A_145 : i32 to vector<16xi32>
        %parallel_loop3A_147 = tpu.vector_load_idx %arg7[%parallel_loop3A_146, %parallel_loop3A_126] : memref<16x2048xf32, #tpu.memory_space<vmem>>[vector<16xi32>, vector<16xi32>], vector<16xf32>,
        %parallel_loop3A_148 = arith.constant 16 : i32
        %parallel_loop3A_149 = arith.muli %parallel_loop3A_122, %parallel_loop3A_148 : i32
        %parallel_loop3A_150 = arith.constant 2 : i32
        %parallel_loop3A_151 = arith.index_cast %parallel_loop3A_150 : i32 to index
        %parallel_loop3A_152 = arith.index_cast %parallel_loop3A_149 : i32 to index
        %parallel_loop3A_153 = tpu.vector_load %arg8[%parallel_loop3A_151, %parallel_loop3A_152] {strides = array<i32>} : memref<8x2048xf32, #tpu.memory_space<vmem>>, vector<16xf32>,
        tpu.vector_store %arg8[%parallel_loop3A_151, %parallel_loop3A_152], %parallel_loop3A_147 {strides = array<i32>} : memref<8x2048xf32, #tpu.memory_space<vmem>>, vector<16xf32>,
        %parallel_loop3A_154 = arith.constant 3 : i32
        %parallel_loop3A_155 = vector.broadcast %parallel_loop3A_154 : i32 to vector<16xi32>
        %parallel_loop3A_156 = tpu.vector_load_idx %arg7[%parallel_loop3A_155, %parallel_loop3A_126] : memref<16x2048xf32, #tpu.memory_space<vmem>>[vector<16xi32>, vector<16xi32>], vector<16xf32>,
        %parallel_loop3A_157 = arith.constant 16 : i32
        %parallel_loop3A_158 = arith.muli %parallel_loop3A_122, %parallel_loop3A_157 : i32
        %parallel_loop3A_159 = arith.constant 3 : i32
        %parallel_loop3A_160 = arith.index_cast %parallel_loop3A_159 : i32 to index
        %parallel_loop3A_161 = arith.index_cast %parallel_loop3A_158 : i32 to index
        %parallel_loop3A_162 = tpu.vector_load %arg8[%parallel_loop3A_160, %parallel_loop3A_161] {strides = array<i32>} : memref<8x2048xf32, #tpu.memory_space<vmem>>, vector<16xf32>,
        tpu.vector_store %arg8[%parallel_loop3A_160, %parallel_loop3A_161], %parallel_loop3A_156 {strides = array<i32>} : memref<8x2048xf32, #tpu.memory_space<vmem>>, vector<16xf32>,
        %parallel_loop3A_163 = arith.constant 4 : i32
        %parallel_loop3A_164 = vector.broadcast %parallel_loop3A_163 : i32 to vector<16xi32>
        %parallel_loop3A_165 = tpu.vector_load_idx %arg7[%parallel_loop3A_164, %parallel_loop3A_126] : memref<16x2048xf32, #tpu.memory_space<vmem>>[vector<16xi32>, vector<16xi32>], vector<16xf32>,
        %parallel_loop3A_166 = arith.constant 16 : i32
        %parallel_loop3A_167 = arith.muli %parallel_loop3A_122, %parallel_loop3A_166 : i32
        %parallel_loop3A_168 = arith.constant 4 : i32
        %parallel_loop3A_169 = arith.index_cast %parallel_loop3A_168 : i32 to index
        %parallel_loop3A_170 = arith.index_cast %parallel_loop3A_167 : i32 to index
        %parallel_loop3A_171 = tpu.vector_load %arg8[%parallel_loop3A_169, %parallel_loop3A_170] {strides = array<i32>} : memref<8x2048xf32, #tpu.memory_space<vmem>>, vector<16xf32>,
        tpu.vector_store %arg8[%parallel_loop3A_169, %parallel_loop3A_170], %parallel_loop3A_165 {strides = array<i32>} : memref<8x2048xf32, #tpu.memory_space<vmem>>, vector<16xf32>,
        %parallel_loop3A_172 = arith.constant 5 : i32
        %parallel_loop3A_173 = vector.broadcast %parallel_loop3A_172 : i32 to vector<16xi32>
        %parallel_loop3A_174 = tpu.vector_load_idx %arg7[%parallel_loop3A_173, %parallel_loop3A_126] : memref<16x2048xf32, #tpu.memory_space<vmem>>[vector<16xi32>, vector<16xi32>], vector<16xf32>,
        %parallel_loop3A_175 = arith.constant 16 : i32
        %parallel_loop3A_176 = arith.muli %parallel_loop3A_122, %parallel_loop3A_175 : i32
        %parallel_loop3A_177 = arith.constant 5 : i32
        %parallel_loop3A_178 = arith.index_cast %parallel_loop3A_177 : i32 to index
        %parallel_loop3A_179 = arith.index_cast %parallel_loop3A_176 : i32 to index
        %parallel_loop3A_180 = tpu.vector_load %arg8[%parallel_loop3A_178, %parallel_loop3A_179] {strides = array<i32>} : memref<8x2048xf32, #tpu.memory_space<vmem>>, vector<16xf32>,
        tpu.vector_store %arg8[%parallel_loop3A_178, %parallel_loop3A_179], %parallel_loop3A_174 {strides = array<i32>} : memref<8x2048xf32, #tpu.memory_space<vmem>>, vector<16xf32>,
        %parallel_loop3A_181 = arith.constant 6 : i32
        %parallel_loop3A_182 = vector.broadcast %parallel_loop3A_181 : i32 to vector<16xi32>
        %parallel_loop3A_183 = tpu.vector_load_idx %arg7[%parallel_loop3A_182, %parallel_loop3A_126] : memref<16x2048xf32, #tpu.memory_space<vmem>>[vector<16xi32>, vector<16xi32>], vector<16xf32>,
        %parallel_loop3A_184 = arith.constant 16 : i32
        %parallel_loop3A_185 = arith.muli %parallel_loop3A_122, %parallel_loop3A_184 : i32
        %parallel_loop3A_186 = arith.constant 6 : i32
        %parallel_loop3A_187 = arith.index_cast %parallel_loop3A_186 : i32 to index
        %parallel_loop3A_188 = arith.index_cast %parallel_loop3A_185 : i32 to index
        %parallel_loop3A_189 = tpu.vector_load %arg8[%parallel_loop3A_187, %parallel_loop3A_188] {strides = array<i32>} : memref<8x2048xf32, #tpu.memory_space<vmem>>, vector<16xf32>,
        tpu.vector_store %arg8[%parallel_loop3A_187, %parallel_loop3A_188], %parallel_loop3A_183 {strides = array<i32>} : memref<8x2048xf32, #tpu.memory_space<vmem>>, vector<16xf32>,
        %parallel_loop3A_190 = arith.constant 7 : i32
        %parallel_loop3A_191 = vector.broadcast %parallel_loop3A_190 : i32 to vector<16xi32>
        %parallel_loop3A_192 = tpu.vector_load_idx %arg7[%parallel_loop3A_191, %parallel_loop3A_126] : memref<16x2048xf32, #tpu.memory_space<vmem>>[vector<16xi32>, vector<16xi32>], vector<16xf32>,
        %parallel_loop3A_193 = arith.constant 16 : i32
        %parallel_loop3A_194 = arith.muli %parallel_loop3A_122, %parallel_loop3A_193 : i32
        %parallel_loop3A_195 = arith.constant 7 : i32
        %parallel_loop3A_196 = arith.index_cast %parallel_loop3A_195 : i32 to index
        %parallel_loop3A_197 = arith.index_cast %parallel_loop3A_194 : i32 to index
        %parallel_loop3A_198 = tpu.vector_load %arg8[%parallel_loop3A_196, %parallel_loop3A_197] {strides = array<i32>} : memref<8x2048xf32, #tpu.memory_space<vmem>>, vector<16xf32>,
        tpu.vector_store %arg8[%parallel_loop3A_196, %parallel_loop3A_197], %parallel_loop3A_192 {strides = array<i32>} : memref<8x2048xf32, #tpu.memory_space<vmem>>, vector<16xf32>,
      } {sc.loop_unroll_factor = 4 : i64, sc.parallel_access}
      %mul3A_96 = arith.constant 8 : i32
      %mul3A_97 = arith.muli %add3A_87, %mul3A_96 : i32
      %add3A_98 = arith.addi %mul3A_2, %mul3A_97 : i32
      %dma_start3A_99 = arith.constant 0 : i32
      %dma_start3A_100 = tpu.memref_slice %arg4[%add3A_98, %dma_start3A_99] : memref<8192x2048xf32, #tpu.memory_space<hbm>> -> memref<8x2048xf32, #tpu.memory_space<hbm>>
      %dma_start3A_101 = arith.constant 0 : i32
      %dma_start3A_102 = tpu.memref_slice %arg4[%add3A_98, %dma_start3A_101] : memref<8192x2048xf32, #tpu.memory_space<hbm>> -> memref<8x2048xf32, #tpu.memory_space<hbm>>
      tpu.enqueue_dma source(%arg8 : memref<8x2048xf32, #tpu.memory_space<vmem>>) target(%dma_start3A_102 : memref<8x2048xf32, #tpu.memory_space<hbm>>) target_semaphore(%arg12 : memref<!tpu.dma_semaphore, #tpu.memory_space<semaphore_mem>>)
      %mul3A_103 = arith.constant 2 : i32
      %mul3A_104 = arith.muli %mul3A_103, %add3A_72 : i32
      %add3A_105 = arith.constant 1 : i32
      %add3A_106 = arith.addi %mul3A_104, %add3A_105 : i32
      %ge3A_107 = arith.constant 2 : i32
      %ge3A_108 = arith.cmpi sge, %add3A_106, %ge3A_107 : i32
      %convert_element_type3A_109 = arith.extui %ge3A_108 : i1 to i32
      %cond3A_110 = arith.constant 0 : i32
      %cond3A_111 = arith.cmpi ne, %convert_element_type3A_109, %cond3A_110 : i32
      scf.if %cond3A_111 {
        %dma_wait3A_122 = arith.constant 0 : i32
        %dma_wait3A_123 = tpu.memref_slice %arg4[%mul3A_2, %dma_wait3A_122] : memref<8192x2048xf32, #tpu.memory_space<hbm>> -> memref<8x2048xf32, #tpu.memory_space<hbm>>
        %dma_wait3A_124 = arith.constant 0 : i32
        %dma_wait3A_125 = tpu.memref_slice %arg4[%mul3A_2, %dma_wait3A_124] : memref<8192x2048xf32, #tpu.memory_space<hbm>> -> memref<8x2048xf32, #tpu.memory_space<hbm>>
        tpu.wait_dma2 semaphore(%arg13 : memref<!tpu.dma_semaphore, #tpu.memory_space<semaphore_mem>>) src(%arg9 : memref<8x2048xf32, #tpu.memory_space<vmem>>) dst(%dma_wait3A_125 : memref<8x2048xf32, #tpu.memory_space<hbm>>)
      } else {
      }
      %parallel_loop3A_112 = arith.constant 0 : i32
      %parallel_loop3A_113 = arith.constant 128 : i32
      %parallel_loop3A_114 = arith.constant 1 : i32
      scf.for %parallel_loop3A_122 = %parallel_loop3A_112 to %parallel_loop3A_113 step %parallel_loop3A_114  : i32 {
        %parallel_loop3A_123 = arith.constant 16 : i32
        %parallel_loop3A_124 = arith.muli %parallel_loop3A_122, %parallel_loop3A_123 : i32
        %parallel_loop3A_125 = arith.index_cast %parallel_loop3A_124 : i32 to index
        %parallel_loop3A_126 = tpu.vector_load %arg5[%parallel_loop3A_125] {strides = array<i32>} : memref<2048xi32, #tpu.memory_space<vmem>>, vector<16xi32>,
        %parallel_loop3A_127 = arith.constant 8 : i32
        %parallel_loop3A_128 = vector.broadcast %parallel_loop3A_127 : i32 to vector<16xi32>
        %parallel_loop3A_129 = tpu.vector_load_idx %arg7[%parallel_loop3A_128, %parallel_loop3A_126] : memref<16x2048xf32, #tpu.memory_space<vmem>>[vector<16xi32>, vector<16xi32>], vector<16xf32>,
        %parallel_loop3A_130 = arith.constant 16 : i32
        %parallel_loop3A_131 = arith.muli %parallel_loop3A_122, %parallel_loop3A_130 : i32
        %parallel_loop3A_132 = arith.constant 0 : i32
        %parallel_loop3A_133 = arith.index_cast %parallel_loop3A_132 : i32 to index
        %parallel_loop3A_134 = arith.index_cast %parallel_loop3A_131 : i32 to index
        %parallel_loop3A_135 = tpu.vector_load %arg9[%parallel_loop3A_133, %parallel_loop3A_134] {strides = array<i32>} : memref<8x2048xf32, #tpu.memory_space<vmem>>, vector<16xf32>,
        tpu.vector_store %arg9[%parallel_loop3A_133, %parallel_loop3A_134], %parallel_loop3A_129 {strides = array<i32>} : memref<8x2048xf32, #tpu.memory_space<vmem>>, vector<16xf32>,
        %parallel_loop3A_136 = arith.constant 9 : i32
        %parallel_loop3A_137 = vector.broadcast %parallel_loop3A_136 : i32 to vector<16xi32>
        %parallel_loop3A_138 = tpu.vector_load_idx %arg7[%parallel_loop3A_137, %parallel_loop3A_126] : memref<16x2048xf32, #tpu.memory_space<vmem>>[vector<16xi32>, vector<16xi32>], vector<16xf32>,
        %parallel_loop3A_139 = arith.constant 16 : i32
        %parallel_loop3A_140 = arith.muli %parallel_loop3A_122, %parallel_loop3A_139 : i32
        %parallel_loop3A_141 = arith.constant 1 : i32
        %parallel_loop3A_142 = arith.index_cast %parallel_loop3A_141 : i32 to index
        %parallel_loop3A_143 = arith.index_cast %parallel_loop3A_140 : i32 to index
        %parallel_loop3A_144 = tpu.vector_load %arg9[%parallel_loop3A_142, %parallel_loop3A_143] {strides = array<i32>} : memref<8x2048xf32, #tpu.memory_space<vmem>>, vector<16xf32>,
        tpu.vector_store %arg9[%parallel_loop3A_142, %parallel_loop3A_143], %parallel_loop3A_138 {strides = array<i32>} : memref<8x2048xf32, #tpu.memory_space<vmem>>, vector<16xf32>,
        %parallel_loop3A_145 = arith.constant 10 : i32
        %parallel_loop3A_146 = vector.broadcast %parallel_loop3A_145 : i32 to vector<16xi32>
        %parallel_loop3A_147 = tpu.vector_load_idx %arg7[%parallel_loop3A_146, %parallel_loop3A_126] : memref<16x2048xf32, #tpu.memory_space<vmem>>[vector<16xi32>, vector<16xi32>], vector<16xf32>,
        %parallel_loop3A_148 = arith.constant 16 : i32
        %parallel_loop3A_149 = arith.muli %parallel_loop3A_122, %parallel_loop3A_148 : i32
        %parallel_loop3A_150 = arith.constant 2 : i32
        %parallel_loop3A_151 = arith.index_cast %parallel_loop3A_150 : i32 to index
        %parallel_loop3A_152 = arith.index_cast %parallel_loop3A_149 : i32 to index
        %parallel_loop3A_153 = tpu.vector_load %arg9[%parallel_loop3A_151, %parallel_loop3A_152] {strides = array<i32>} : memref<8x2048xf32, #tpu.memory_space<vmem>>, vector<16xf32>,
        tpu.vector_store %arg9[%parallel_loop3A_151, %parallel_loop3A_152], %parallel_loop3A_147 {strides = array<i32>} : memref<8x2048xf32, #tpu.memory_space<vmem>>, vector<16xf32>,
        %parallel_loop3A_154 = arith.constant 11 : i32
        %parallel_loop3A_155 = vector.broadcast %parallel_loop3A_154 : i32 to vector<16xi32>
        %parallel_loop3A_156 = tpu.vector_load_idx %arg7[%parallel_loop3A_155, %parallel_loop3A_126] : memref<16x2048xf32, #tpu.memory_space<vmem>>[vector<16xi32>, vector<16xi32>], vector<16xf32>,
        %parallel_loop3A_157 = arith.constant 16 : i32
        %parallel_loop3A_158 = arith.muli %parallel_loop3A_122, %parallel_loop3A_157 : i32
        %parallel_loop3A_159 = arith.constant 3 : i32
        %parallel_loop3A_160 = arith.index_cast %parallel_loop3A_159 : i32 to index
        %parallel_loop3A_161 = arith.index_cast %parallel_loop3A_158 : i32 to index
        %parallel_loop3A_162 = tpu.vector_load %arg9[%parallel_loop3A_160, %parallel_loop3A_161] {strides = array<i32>} : memref<8x2048xf32, #tpu.memory_space<vmem>>, vector<16xf32>,
        tpu.vector_store %arg9[%parallel_loop3A_160, %parallel_loop3A_161], %parallel_loop3A_156 {strides = array<i32>} : memref<8x2048xf32, #tpu.memory_space<vmem>>, vector<16xf32>,
        %parallel_loop3A_163 = arith.constant 12 : i32
        %parallel_loop3A_164 = vector.broadcast %parallel_loop3A_163 : i32 to vector<16xi32>
        %parallel_loop3A_165 = tpu.vector_load_idx %arg7[%parallel_loop3A_164, %parallel_loop3A_126] : memref<16x2048xf32, #tpu.memory_space<vmem>>[vector<16xi32>, vector<16xi32>], vector<16xf32>,
        %parallel_loop3A_166 = arith.constant 16 : i32
        %parallel_loop3A_167 = arith.muli %parallel_loop3A_122, %parallel_loop3A_166 : i32
        %parallel_loop3A_168 = arith.constant 4 : i32
        %parallel_loop3A_169 = arith.index_cast %parallel_loop3A_168 : i32 to index
        %parallel_loop3A_170 = arith.index_cast %parallel_loop3A_167 : i32 to index
        %parallel_loop3A_171 = tpu.vector_load %arg9[%parallel_loop3A_169, %parallel_loop3A_170] {strides = array<i32>} : memref<8x2048xf32, #tpu.memory_space<vmem>>, vector<16xf32>,
        tpu.vector_store %arg9[%parallel_loop3A_169, %parallel_loop3A_170], %parallel_loop3A_165 {strides = array<i32>} : memref<8x2048xf32, #tpu.memory_space<vmem>>, vector<16xf32>,
        %parallel_loop3A_172 = arith.constant 13 : i32
        %parallel_loop3A_173 = vector.broadcast %parallel_loop3A_172 : i32 to vector<16xi32>
        %parallel_loop3A_174 = tpu.vector_load_idx %arg7[%parallel_loop3A_173, %parallel_loop3A_126] : memref<16x2048xf32, #tpu.memory_space<vmem>>[vector<16xi32>, vector<16xi32>], vector<16xf32>,
        %parallel_loop3A_175 = arith.constant 16 : i32
        %parallel_loop3A_176 = arith.muli %parallel_loop3A_122, %parallel_loop3A_175 : i32
        %parallel_loop3A_177 = arith.constant 5 : i32
        %parallel_loop3A_178 = arith.index_cast %parallel_loop3A_177 : i32 to index
        %parallel_loop3A_179 = arith.index_cast %parallel_loop3A_176 : i32 to index
        %parallel_loop3A_180 = tpu.vector_load %arg9[%parallel_loop3A_178, %parallel_loop3A_179] {strides = array<i32>} : memref<8x2048xf32, #tpu.memory_space<vmem>>, vector<16xf32>,
        tpu.vector_store %arg9[%parallel_loop3A_178, %parallel_loop3A_179], %parallel_loop3A_174 {strides = array<i32>} : memref<8x2048xf32, #tpu.memory_space<vmem>>, vector<16xf32>,
        %parallel_loop3A_181 = arith.constant 14 : i32
        %parallel_loop3A_182 = vector.broadcast %parallel_loop3A_181 : i32 to vector<16xi32>
        %parallel_loop3A_183 = tpu.vector_load_idx %arg7[%parallel_loop3A_182, %parallel_loop3A_126] : memref<16x2048xf32, #tpu.memory_space<vmem>>[vector<16xi32>, vector<16xi32>], vector<16xf32>,
        %parallel_loop3A_184 = arith.constant 16 : i32
        %parallel_loop3A_185 = arith.muli %parallel_loop3A_122, %parallel_loop3A_184 : i32
        %parallel_loop3A_186 = arith.constant 6 : i32
        %parallel_loop3A_187 = arith.index_cast %parallel_loop3A_186 : i32 to index
        %parallel_loop3A_188 = arith.index_cast %parallel_loop3A_185 : i32 to index
        %parallel_loop3A_189 = tpu.vector_load %arg9[%parallel_loop3A_187, %parallel_loop3A_188] {strides = array<i32>} : memref<8x2048xf32, #tpu.memory_space<vmem>>, vector<16xf32>,
        tpu.vector_store %arg9[%parallel_loop3A_187, %parallel_loop3A_188], %parallel_loop3A_183 {strides = array<i32>} : memref<8x2048xf32, #tpu.memory_space<vmem>>, vector<16xf32>,
        %parallel_loop3A_190 = arith.constant 15 : i32
        %parallel_loop3A_191 = vector.broadcast %parallel_loop3A_190 : i32 to vector<16xi32>
        %parallel_loop3A_192 = tpu.vector_load_idx %arg7[%parallel_loop3A_191, %parallel_loop3A_126] : memref<16x2048xf32, #tpu.memory_space<vmem>>[vector<16xi32>, vector<16xi32>], vector<16xf32>,
        %parallel_loop3A_193 = arith.constant 16 : i32
        %parallel_loop3A_194 = arith.muli %parallel_loop3A_122, %parallel_loop3A_193 : i32
        %parallel_loop3A_195 = arith.constant 7 : i32
        %parallel_loop3A_196 = arith.index_cast %parallel_loop3A_195 : i32 to index
        %parallel_loop3A_197 = arith.index_cast %parallel_loop3A_194 : i32 to index
        %parallel_loop3A_198 = tpu.vector_load %arg9[%parallel_loop3A_196, %parallel_loop3A_197] {strides = array<i32>} : memref<8x2048xf32, #tpu.memory_space<vmem>>, vector<16xf32>,
        tpu.vector_store %arg9[%parallel_loop3A_196, %parallel_loop3A_197], %parallel_loop3A_192 {strides = array<i32>} : memref<8x2048xf32, #tpu.memory_space<vmem>>, vector<16xf32>,
      } {sc.loop_unroll_factor = 4 : i64, sc.parallel_access}
      %mul3A_115 = arith.constant 8 : i32
      %mul3A_116 = arith.muli %add3A_106, %mul3A_115 : i32
      %add3A_117 = arith.addi %mul3A_2, %mul3A_116 : i32
      %dma_start3A_118 = arith.constant 0 : i32
      %dma_start3A_119 = tpu.memref_slice %arg4[%add3A_117, %dma_start3A_118] : memref<8192x2048xf32, #tpu.memory_space<hbm>> -> memref<8x2048xf32, #tpu.memory_space<hbm>>
      %dma_start3A_120 = arith.constant 0 : i32
      %dma_start3A_121 = tpu.memref_slice %arg4[%add3A_117, %dma_start3A_120] : memref<8192x2048xf32, #tpu.memory_space<hbm>> -> memref<8x2048xf32, #tpu.memory_space<hbm>>
      tpu.enqueue_dma source(%arg9 : memref<8x2048xf32, #tpu.memory_space<vmem>>) target(%dma_start3A_121 : memref<8x2048xf32, #tpu.memory_space<hbm>>) target_semaphore(%arg13 : memref<!tpu.dma_semaphore, #tpu.memory_space<semaphore_mem>>)
    }
    %scan3A_12 = arith.constant 8 : i32
    %dma_wait3A = arith.constant 0 : i32
    %dma_wait3A_13 = tpu.memref_slice %arg4[%mul3A_2, %dma_wait3A] : memref<8192x2048xf32, #tpu.memory_space<hbm>> -> memref<8x2048xf32, #tpu.memory_space<hbm>>
    %dma_wait3A_14 = arith.constant 0 : i32
    %dma_wait3A_15 = tpu.memref_slice %arg4[%mul3A_2, %dma_wait3A_14] : memref<8192x2048xf32, #tpu.memory_space<hbm>> -> memref<8x2048xf32, #tpu.memory_space<hbm>>
    tpu.wait_dma2 semaphore(%arg12 : memref<!tpu.dma_semaphore, #tpu.memory_space<semaphore_mem>>) src(%arg8 : memref<8x2048xf32, #tpu.memory_space<vmem>>) dst(%dma_wait3A_15 : memref<8x2048xf32, #tpu.memory_space<hbm>>)
    %dma_wait3A_16 = arith.constant 0 : i32
    %dma_wait3A_17 = tpu.memref_slice %arg4[%mul3A_2, %dma_wait3A_16] : memref<8192x2048xf32, #tpu.memory_space<hbm>> -> memref<8x2048xf32, #tpu.memory_space<hbm>>
    %dma_wait3A_18 = arith.constant 0 : i32
    %dma_wait3A_19 = tpu.memref_slice %arg4[%mul3A_2, %dma_wait3A_18] : memref<8192x2048xf32, #tpu.memory_space<hbm>> -> memref<8x2048xf32, #tpu.memory_space<hbm>>
    tpu.wait_dma2 semaphore(%arg13 : memref<!tpu.dma_semaphore, #tpu.memory_space<semaphore_mem>>) src(%arg9 : memref<8x2048xf32, #tpu.memory_space<vmem>>) dst(%dma_wait3A_19 : memref<8x2048xf32, #tpu.memory_space<hbm>>)
    return
  }
}

</mosaic_0001>

<sc_bundles>
// kernel: kernel.3.cloned.1.call-start
scs
__scs_entry_jumppad:
0x0: {  	(pc) =	sbr.rel $0x88, $3  }
0x1: {  	(tag) =	ssettag $0x0;
	lr =	simm.s32 $0x1  }
0x2: {  	[smem:$0x3F9F] =	sst lr;
	_ =	strace $0xD0000000  }
0x3: {  	_ = 	snop  }
0x4: {  	_ = 	snop  }
0x5: {  	_ = 	snop  }
0x6: {  	_ = 	snop  }
0x7: {  	_ = 	snop  }
__scs_overlays_trampoline_lowered:
0x8: {  	[smem:$0x3FAE] =	sst s0  }
0x9: {  	[smem:$0x3FAF] =	sst s1  }
0xa: {  	[smem:$0x3FB0] =	sst s2  }
0xb: {  	[smem:$0x3FB1] =	sst s3  }
0xc: {  	[smem:$0x3FB2] =	sst s4  }
0xd: {  	[smem:$0x3FB3] =	sst s5  }
0xe: {  	[smem:$0x3FB4] =	sst s6  }
0xf: {  	[smem:$0x3FB5] =	sst s7  }
0x10: {  	[smem:$0x3FB6] =	sst s8  }
0x11: {  	[smem:$0x3FB7] =	sst s9;
	s0 =	simm.s32 @!p0 $0x0  }
0x12: {  	s1 =	sld [smem:$0x3F9D];
	s0 =	simm.s32 @p0 $0x1  }
0x13: {  	[smem:$0x3FB8] =	sst s0;
	s0 =	simm.s32 @!p1 $0x0  }
0x14: {  	s2 =	sld [smem:$0x3F9C];
	s0 =	simm.s32 @p1 $0x1  }
0x15: {  	[smem:$0x3FB9] =	sst s0;
	s0 =	simm.s32 @!p2 $0x0  }
0x16: {  	s3 =	sld [smem:$0x3FDB];
	s0 =	simm.s32 @p2 $0x1  }
0x17: {  	s4 =	simm.s32 $0x1BF5;
	[smem:$0x3FBB] =	sst s0  }
0x18: {  	s0 =	sld [smem:$0x3F9E];
	_ =	swait.ge [sflag:s4], $0x0  }
0x19: {  	s7 =	sld [smem:$0x3F9F]  }
0x1a: {  	s8 =	sadd.s32 $0xFFFFE003, lr  }
0x1b: {  	s9 =	sadd.s32 $0xFFFFFEF7, lr;
	s5 =	simm.s32 $0xFFFFFFFF;
	p2 =	slt.u32 s8, $0xFFFFF086  }
0x1c: {  	p1 =	slt.u32 s9, $0xF7A;
	s5 =	simm.s32 @!p2 $0x0  }
0x1d: {  	s5 =	simm.s32 @p1 $0x1;
	p0 =	seq.s32 s7, s2  }
0x1e: {  	s7 =	smul.u32 @!p0 $0xF7A, s2;
	p2 =	seq.s32 @!p0 s5, $0x0  }
0x1f: {  	s9 =	smul.u32 $0xF7A, s1;
	s8 =	simm.s32 @!p0 $0x1BF5;
	p2 =	por !p2, p0  }
0x20: {  	[sflag:s8] =	ssyncset.s32 @!p0 $0xFFFFF086;
	s6 =	sadd.s32 @!p0 s3, s7;
	s7 =	simm.s32 @!p0 $0x108  }
0x21: {  	s3 =	sadd.s32 s3, s9;
	s6 =	sadd.s32 @!p0 $0x88, s6;
	s7 =	simm.s32 @p2 $0x1082  }
0x22: {  	[simem:s7], [sflag:s8] =	dma.local @!p0 [hbm:s6], $0xF7A  }
0x23: {  	s9 =	sor.u32 $0xD0000000, s2;
	s6 =	simm.s32 $0x108;
	_ =	swait.ge @!p0 [sflag:s8], $0x0  }
0x24: {  	s3 =	sadd.s32 $0x88, s3;
	s6 =	simm.s32 @!p1 $0x1082;
	[sflag:s4] =	ssyncset.s32 $0xFFFFF086  }
0x25: {  	[simem:s6], [sflag:s4] =	dma.local [hbm:s3], $0xF7A  }
0x26: {  	[smem:$0x3F9F] =	sst s1;
	(tag) =	ssettag s2;
	_ =	strace s9  }
0x27: {  	s1 =	sld [smem:$0x3FAF]  }
0x28: {  	s2 =	sld [smem:$0x3FB0]  }
0x29: {  	s4 =	sld [smem:$0x3FB2]  }
0x2a: {  	p0 =	seq.s32 s5, $0x0;
	s5 =	sld [smem:$0x3FB3]  }
0x2b: {  	s6 =	sld [smem:$0x3FB4]  }
0x2c: {  	s7 =	sld [smem:$0x3FB5]  }
0x2d: {  	s3 =	simm.s32 $0x108;
	s8 =	sld [smem:$0x3FB6]  }
0x2e: {  	s3 =	simm.s32 @!p0 $0x1082;
	s9 =	sld [smem:$0x3FB7]  }
0x2f: {  	lr =	sadd.s32 s0, s3;
	s0 =	sld [smem:$0x3FAE]  }
0x30: {  	s3 =	sld [smem:$0x3FB1]  }
0x31: {  	[smem:$0x3FBA] =	sst s10  }
0x32: {  	s10 =	sld [smem:$0x3FB8];
	_ =	sdelay $0x3  }
0x33: {  	p0 =	seq.s32 s10, $0x1;
	s10 =	sld [smem:$0x3FBA];
	_ =	sdelay $0x3  }
0x34: {  	[smem:$0x3FBA] =	sst s10  }
0x35: {  	s10 =	sld [smem:$0x3FB9];
	_ =	sdelay $0x3  }
0x36: {  	p1 =	seq.s32 s10, $0x1;
	s10 =	sld [smem:$0x3FBA];
	_ =	sdelay $0x3  }
0x37: {  	[smem:$0x3FBA] =	sst s10  }
0x38: {  	s10 =	sld [smem:$0x3FBB]  }
0x39: {  	_ = 	snop;
	(pc) =	sbr.ind lr, $3  }
0x3a: {  	_ = 	snop  }
0x3b: {  	_ = 	snop  }
0x3c: {  	p2 =	seq.s32 s10, $0x1;
	s10 =	sld [smem:$0x3FBA]  }
0x3d: {  	_ =	shalt  }
0x3e: {  	_ =	shalt  }
0x3f: {  	_ =	shalt  }
0x40: {  	_ =	shalt  }
0x41: {  	_ =	shalt  }
0x42: {  	_ =	shalt  }
0x43: {  	_ =	shalt  }
0x44: {  	_ =	shalt  }
0x45: {  	_ =	shalt  }
0x46: {  	_ =	shalt  }
0x47: {  	_ =	shalt  }
0x48: {  	_ =	shalt  }
0x49: {  	_ =	shalt  }
0x4a: {  	_ =	shalt  }
0x4b: {  	_ =	shalt  }
0x4c: {  	_ =	shalt  }
0x4d: {  	_ =	shalt  }
0x4e: {  	_ =	shalt  }
0x4f: {  	_ =	shalt  }
0x50: {  	_ =	shalt  }
0x51: {  	_ =	shalt  }
0x52: {  	_ =	shalt  }
0x53: {  	_ =	shalt  }
0x54: {  	_ =	shalt  }
0x55: {  	_ =	shalt  }
0x56: {  	_ =	shalt  }
0x57: {  	_ =	shalt  }
0x58: {  	_ =	shalt  }
0x59: {  	_ =	shalt  }
0x5a: {  	_ =	shalt  }
0x5b: {  	_ =	shalt  }
0x5c: {  	_ =	shalt  }
0x5d: {  	_ =	shalt  }
0x5e: {  	_ =	shalt  }
0x5f: {  	_ =	shalt  }
0x60: {  	_ =	shalt  }
0x61: {  	_ =	shalt  }
0x62: {  	_ =	shalt  }
0x63: {  	_ =	shalt  }
0x64: {  	_ =	shalt  }
0x65: {  	_ =	shalt  }
0x66: {  	_ =	shalt  }
0x67: {  	_ =	shalt  }
0x68: {  	_ =	shalt  }
0x69: {  	_ =	shalt  }
0x6a: {  	_ =	shalt  }
0x6b: {  	_ =	shalt  }
0x6c: {  	_ =	shalt  }
0x6d: {  	_ =	shalt  }
0x6e: {  	_ =	shalt  }
0x6f: {  	_ =	shalt  }
0x70: {  	_ =	shalt  }
0x71: {  	_ =	shalt  }
0x72: {  	_ =	shalt  }
0x73: {  	_ =	shalt  }
0x74: {  	_ =	shalt  }
0x75: {  	_ =	shalt  }
0x76: {  	_ =	shalt  }
0x77: {  	_ =	shalt  }
0x78: {  	_ =	shalt  }
0x79: {  	_ =	shalt  }
0x7a: {  	_ =	shalt  }
0x7b: {  	_ =	shalt  }
0x7c: {  	_ =	shalt  }
0x7d: {  	_ =	shalt  }
0x7e: {  	_ =	shalt  }
0x7f: {  	_ =	shalt  }
0x80: {  	_ =	shalt  }
0x81: {  	_ =	shalt  }
0x82: {  	_ =	shalt  }
0x83: {  	_ =	shalt  }
0x84: {  	_ =	shalt  }
0x85: {  	_ =	shalt  }
0x86: {  	_ =	shalt  }
0x87: {  	_ =	shalt  }
.Lfunc_end0:
.L_simem_size_0:
called_computation_lowered:
.L_overlay_start_0:
0x88: {  	s2 =	sld [smem:$0x3FD9]  }
0x89: {  	s3 =	sld [smem:$0x3FFE];
	_ =	sdelay $0x1  }
0x8a: {  	s1 =	srdreg.scid  }
0x8b: {  	s0 =	sand.u32 $0x1, s1  }
0x8c: {  	s18 =	sshll.u32 s0, $0xA;
	s2 =	sadd.s32 s3, s2  }
0x8d: {  	s2 =	sadd.s32 s2, s18  }
0x8e: {  	[smem:$0x3FC6] =	sst s2  }
0x8f: {  	_ = 	snop  }
0x90: {  	s2 =	sld [smem:$0x3FC9]  }
0x91: {  	s19 =	sld [smem:$0x3FC8]  }
0x92: {  	s4 =	sld [smem:$0x3FD0];
	(tm) =	ssettm $0x1  }
0x93: {  	s5 =	sld [smem:$0x3FFB];
	_ =	sdelay $0x3  }
0x94: {  	_ =	strace s5  }
0x95: {  	s5 =	sld [smem:$0x3FFC];
	_ =	sdelay $0x3  }
0x96: {  	_ =	strace s5  }
0x97: {  	s5 =	sld [smem:$0x3FFD];
	_ =	sdelay $0x3  }
0x98: {  	_ =	strace s5  }
0x99: {  	_ =	strace $0x8FFFFFFF  }
0x9a: {  	s20 =	sld [smem:$0x3FDB];
	_ =	sdelay $0x1  }
0x9b: {  	s6 =	simm.s32 $_scs_section_size  }
0x9c: {  	s7 =	simm.s32 $_size__tile_overlayer_lowered;
	s8 =	simm.s32 $_tile_overlayer_lowered  }
0x9d: {  	s23 =	simm.s32 $0x1BFF;
	s22 =	sshll.u32 s8, $0x1;
	s5 =	sadd.s32 s6, s20  }
0x9e: {  	s9 =	simm.s32 $0x0;
	s21 =	sshll.u32 s7, $0x1;
	s7 =	sadd.s32 s22, s5  }
0x9f: {  	[timem:s9], [sflag:s23] =	dma.local [hbm:s7], s21  }
0xa0: {  	_ =	swait.ge [sflag:s23], s21  }
0xa1: {  	s6 =	ssub.s32 $0x0, s21;
	[sflag:s23] =	ssyncset.done $0x0  }
0xa2: {  	[sflag:s23] =	ssyncadd.s32 s6;
	_ =	sdelay $0x1  }
0xa3: {  	s24 =	simm.s32 $0x1B8B  }
0xa4: {  	_ =	swait.ge [sflag:s24], $0x1  }
0xa5: {  	[sflag:s24] =	ssyncset.done $0x0  }
0xa6: {  	s25 =	simm.s32 $0x1B8E;
	[sflag:s24] =	ssyncadd.s32 $0xFFFFFFFF  }
0xa7: {  	s26 =	simm.s32 $execute0_lowered;
	[smem:$0x3FD2] =	sst s25  }
0xa8: {  	s6 =	sshll.u32 s26, $0x1;
	_ =	strace $0x80000046;
	[dreg:$0x1] =	wrdreg $0xFFFFFFFF  }
0xa9: {  	s28 =	simm.s32 $_size_execute0_lowered;
	s5 =	sadd.s32 s5, s6;
	[dreg:$0x0] =	wrdreg $0x0  }
0xaa: {  	s6 =	sshll.u32 s28, $0x1;
	[dreg:$0x2] =	wrdreg s5  }
0xab: {  	[dreg:$0x3] =	wrdreg s6  }
0xac: {  	[dreg:$0x4] =	wrdreg $0xC0  }
0xad: {  	_ =	task [dreg:s9], $0x5FFFF  }
0xae: {  	[dreg:$0x1] =	wrdreg $0xFFFFFFFF  }
0xaf: {  	[dreg:$0x0] =	wrdreg $0x60  }
0xb0: {  	[dreg:$0x2] =	wrdreg s2  }
0xb1: {  	[dreg:$0x3] =	wrdreg s19  }
0xb2: {  	[dreg:$0x4] =	wrdreg s4  }
0xb3: {  	[dreg:$0x5] =	wrdreg $0x9  }
0xb4: {  	_ =	task.clear_ibuf [dreg:s9], $0x6FFFF;
	_ =	strace $0x90000046  }
0xb5: {  	s29 =	simm.s32 $0x9;
	_ =	strace $0x80000048  }
0xb6: {  	_ =	swait.ge [sflag:s29], $0x1  }
0xb7: {  	[sflag:s29] =	ssyncadd.s32 $0xFFFFFFFF  }
0xb8: {  	_ =	strace $0x90000048  }
0xb9: {  	_ =	sfence  }
0xba: {  	s30 =	sld [smem:$0x0];
	_ =	sdelay $0x2  }
0xbb: {  	s31 =	sshll.u32 s1, $0xD;
	s1 =	sshrl.u32 s1, $0x2  }
0xbc: {  	s3 =	sand.u32 $0x4000, s31;
	s1 =	sadd.s32 s1, s30  }
0xbd: {  	s0 =	sor.u32 s3, s0;
	s1 =	sshll.u32 s1, $0x11  }
0xbe: {  	s0 =	sor.u32 s1, s0  }
0xbf: {  	s0 =	sadd.s32 $0x8F2B, s0  }
0xc0: {  	[sflag:s0] =	ssyncadd.remote.s32 $0x1  }
0xc1: {  	_ =	sfence.sel $0xFFFF  }
0xc2: {  	[dreg:$0x0] =	wrdreg $0xFFFFFFFF;
	(pc) =	sbr.abs _section_cstart, $3  }
0xc3: {  	[dreg:$0x1] =	wrdreg $0xFFFFFFFF  }
0xc4: {  	_ =	task.clear_ibuf [dreg:s9], $0x2FFFF;
	_ =	strace $0x9FFFFFFF  }
0xc5: {  	(tm) =	ssettm $0x7FFFFFFF  }
tec
execute0_lowered:
.L_overlay_start_1:
0x0: {  	(tag) =	ssettag $0x1  }
0x1: {  	s3 =	rddreg [dreg:$0x0]  }
0x2: {  	s4 =	rddreg [dreg:$0x2];
	s0 =	srdreg.scid  }
0x3: {  	s2 =	stileid.u32;
	s5 =	simm.s32 $0x0;
	s0 =	sand.u32 $0x1, s0  }
0x4: {  	s12 =	simm.s32 $0x800;
	s2 =	sshll.u32 s2, $0x10;
	s1 =	sshll.u32 s0, $0x14  }
0x5: {  	[smem:$0x7FF] =	sst s5;
	s0 =	ssub.s32 $0x2, s0;
	s2 =	sor.u32 s2, s1  }
0x6: {  	_ =	strace $0x80000047;
	s3 =	sadd.s32 s3, s2;
	[dreg:$0x4] =	wrdreg s2  }
0x7: {  	s29 =	sshrl.u32 s0, $0x1;
	s30 =	sadd.s32 s4, s2;
	[dreg:$0x5] =	wrdreg s3  }
0x8: {  	s0 =	ssub.s32 s0, s29;
	s31 =	sadd.s32 $0x2000, s3;
	[dreg:$0x6] =	wrdreg s30  }
0x9: {  	s15 =	simm.s32 $0x8800;
	s0 =	smax.u32 s0, $0x1;
	[dreg:$0x7] =	wrdreg s31  }
0xa: {  	s2 =	simm.s32 $0x0;
	s11 =	sadd.s32 $0x800, s30;
	[dreg:$0x8] =	wrdreg s0  }
.LBB2_1:
0xb: {  	[dreg:$0x9] =	wrdreg s2  }
0xc: {  	s0 =	rddreg [dreg:$0x5]  }
0xd: {  	[tilespmem:s12], [sflag:$0x1] =	stream.linear.gather [hbm4b:s0+s5], $0x8000, $0x38;
	[tilespmem:$0x18800] =	vst v63  }
0xe: {  	s30 =	rddreg [dreg:$0x1];
	s31 =	simm.s32 $0x5  }
0xf: {  	[tilespmem:s5], [sflag:$0x5] =	stream.linear.gather [hbm4b:s30+s5], $0x800, $0x38;
	[tilespmem:$0x18800] =	vst v63  }
0x10: {  	_ =	swait.ge [sflag:s31], $0x800  }
0x11: {  	[sflag:s31] =	ssyncset.done $0x0  }
0x12: {  	s22 =	simm.s32 $0x0;
	[sflag:s31] =	ssyncadd.s32 $0xFFFFF800  }
.LBB2_2:
0x13: {  	s1 =	simm.s32 $0x1  }
0x14: {  	_ =	swait.ge [sflag:s1], $0x8000  }
0x15: {  	s25 =	sshll.u32 s22, $0xD;
	[sflag:s1] =	ssyncset.done $0x0  }
0x16: {  	s23 =	sor.u32 $0x1000, s25;
	s0 =	rddreg [dreg:$0x4];
	[sflag:s1] =	ssyncadd.s32 $0xFFFF8000  }
0x17: {  	s24 =	sadd.s32 s0, s23;
	s19 =	rddreg [dreg:$0x0]  }
0x18: {  	p0 =	seq.s32 s22, $0x0;
	s0 =	sadd.s32 s19, s24  }
0x19: {  	[tilespmem:s15], [sflag:$0x2] =	stream.linear.gather [hbm4b:s0+s5], $0x8000, $0x38;
	[tilespmem:$0x18800] =	vst v63  }
0x1a: {  	s20 =	simm.s32 $0x0;
	s0 =	simm.s32 @!p0 $0x3  }
0x1b: {  	s2 =	sand.u32 $0x40, s20;
	_ =	swait.ge @!p0 [sflag:s0], $0x4000  }
0x1c: {  	s3 =	sand.u32 $0x780, s20;
	s4 =	sor.u32 $0x30, s2;
	[sflag:s0] =	ssyncset.done @!p0 $0x0  }
0x1d: {  	s21 =	sor.u32 s4, s3;
	[sflag:s0] =	ssyncadd.s32 @!p0 $0xFFFFC000  }
0x1e: {  	v0 =	vld [tilespmem:s21+$0x0]  }
0x1f: {  	s26 =	sor.u32 $0x10, s2;
	v1 =	vld [tilespmem:s20+$0x0]  }
0x20: {  	s6 =	sor.u32 $0x20, s2;
	s7 =	sor.u32 s26, s3  }
0x21: {  	s3 =	sor.u32 s6, s3;
	v2 =	vld [tilespmem:s7+$0x0]  }
0x22: {  	v3 =	vld [tilespmem:s3+$0x0]  }
0x23: {  	v4 =	vshll.u32 v0, $0x3  }
0x24: {  	v5 =	vshll.u32 v1, $0x3;
	v0 =	vand.u32 $0x7F, v0;
	v4 =	vand.u32 $0xFFFFFC00, v4  }
0x25: {  	v1 =	vand.u32 $0x7F, v1;
	v6 =	vand.u32 $0xFFFFFC00, v5;
	v5 =	vor.u32 v0, v4  }
0x26: {  	v0 =	vor.u32 v1, v6;
	v1 =	vshll.u32 v2, $0x3  }
0x27: {  	v4 =	vshll.u32 v3, $0x3;
	v2 =	vand.u32 $0x7F, v2;
	v1 =	vand.u32 $0xFFFFFC00, v1  }
0x28: {  	v6 =	vand.u32 $0xFFFFFC00, v4;
	v4 =	vor.u32 v2, v1;
	v1 =	vand.u32 $0x7F, v3  }
0x29: {  	v3 =	vor.u32 v1, v6  }
0x2a: {  	v1 =	vld.idx.msk [tilespmem:v5+s12+$0x0], $0xffff  }
0x2b: {  	v6 =	vor.u32 $0x80, v5;
	v2 =	vld.idx.msk [tilespmem:v0+s12+$0x0], $0xffff  }
0x2c: {  	s1 =	sand.u32 $0x3C00, s20;
	v7 =	vor.u32 $0x80, v0  }
0x2d: {  	s1 =	sadd.s32 $0x10800, s1;
	v8 =	vld.idx.msk [tilespmem:v4+s12+$0x0], $0xffff  }
0x2e: {  	s31 =	sor.u32 s4, s1;
	v9 =	vor.u32 $0x80, v4;
	v10 =	vld.idx.msk [tilespmem:v3+s12+$0x0], $0xffff  }
0x2f: {  	s2 =	sor.u32 s2, s1;
	v11 =	vor.u32 $0x80, v3;
	[tilespmem:s31+$0x0] =	vst v1  }
0x30: {  	[tilespmem:s2+$0x0] =	vst v2;
	v1 =	vld.idx.msk [tilespmem:v6+s12+$0x0], $0xffff  }
0x31: {  	s8 =	sor.u32 s26, s1;
	v2 =	vld.idx.msk [tilespmem:v7+s12+$0x0], $0xffff;
	v6 =	vor.u32 $0x100, v5  }
0x32: {  	s0 =	sor.u32 s6, s1;
	v7 =	vor.u32 $0x100, v0;
	[tilespmem:s8+$0x0] =	vst v8  }
0x33: {  	v8 =	vld.idx.msk [tilespmem:v9+s12+$0x0], $0xffff;
	[tilespmem:s0+$0x0] =	vst v10  }
0x34: {  	v9 =	vor.u32 $0x100, v4;
	v10 =	vld.idx.msk [tilespmem:v11+s12+$0x0], $0xffff  }
0x35: {  	v11 =	vor.u32 $0x100, v3;
	[tilespmem:s31+$0x80] =	vst v1  }
0x36: {  	[tilespmem:s2+$0x80] =	vst v2;
	v1 =	vld.idx.msk [tilespmem:v6+s12+$0x0], $0xffff  }
0x37: {  	v2 =	vld.idx.msk [tilespmem:v7+s12+$0x0], $0xffff;
	v6 =	vor.u32 $0x180, v5  }
0x38: {  	v7 =	vor.u32 $0x180, v0;
	[tilespmem:s8+$0x80] =	vst v8  }
0x39: {  	v8 =	vld.idx.msk [tilespmem:v9+s12+$0x0], $0xffff;
	[tilespmem:s0+$0x80] =	vst v10  }
0x3a: {  	s26 =	simm.s32 $0x40;
	v9 =	vor.u32 $0x180, v4;
	v10 =	vld.idx.msk [tilespmem:v11+s12+$0x0], $0xffff  }
0x3b: {  	s1 =	sand.u32 $0x40, s26;
	v11 =	vld [tilespmem:s26+$0x0];
	[tilespmem:s31+$0x100] =	vst v1  }
0x3c: {  	s9 =	sand.u32 $0x780, s26;
	s18 =	sor.u32 $0x30, s1;
	[tilespmem:s2+$0x100] =	vst v2;
	v1 =	vld.idx.msk [tilespmem:v6+s12+$0x0], $0xffff  }
0x3d: {  	s19 =	sor.u32 s18, s9;
	v2 =	vor.u32 $0x180, v3;
	v6 =	vld.idx.msk [tilespmem:v7+s12+$0x0], $0xffff  }
0x3e: {  	s20 =	sor.u32 $0x10, s1;
	v7 =	vor.u32 $0x200, v5;
	[tilespmem:s8+$0x100] =	vst v8;
	v8 =	vld [tilespmem:s19+$0x0]  }
0x3f: {  	s21 =	sor.u32 $0x20, s1;
	s10 =	sor.u32 s20, s9;
	v9 =	vld.idx.msk [tilespmem:v9+s12+$0x0], $0xffff  }
0x40: {  	s9 =	sor.u32 s21, s9;
	v13 =	vld [tilespmem:s10+$0x0];
	v12 =	vor.u32 $0x200, v4;
	v14 =	vshll.u32 v11, $0x3  }
0x41: {  	v15 =	vld [tilespmem:s9+$0x0];
	[tilespmem:s0+$0x100] =	vst v10;
	v10 =	vor.u32 $0x200, v0;
	v11 =	vand.u32 $0x7F, v11;
	v14 =	vand.u32 $0xFFFFFC00, v14  }
0x42: {  	p1 =	por $0x0, $0x0;
	s7 =	simm.s32 $0x1;
	v16 =	vld.idx.msk [tilespmem:v2+s12+$0x0], $0xffff;
	[tilespmem:s31+$0x180] =	vst v1;
	v1 =	vor.u32 v11, v14  }
0x43: {  	s7 =	simm.s32 @!p1 $0x0;
	v11 =	vor.u32 $0x200, v3;
	v7 =	vld.idx.msk [tilespmem:v7+s12+$0x0], $0xffff;
	v2 =	vshll.u32 v8, $0x3  }
0x44: {  	s7 =	sshll.u32 s7, $0x6;
	v8 =	vand.u32 $0x7F, v8;
	[tilespmem:s8+$0x180] =	vst v9;
	v2 =	vand.u32 $0xFFFFFC00, v2;
	v9 =	vor.u32 $0x280, v5  }
0x45: {  	v14 =	vor.u32 $0x280, v4;
	[tilespmem:s2+$0x180] =	vst v6;
	s2 =	sadd.s32 $0x0, s7;
	v6 =	vld.idx.msk [tilespmem:v12+s12+$0x0], $0xffff;
	v12 =	vshll.u32 v13, $0x3;
	v2 =	vor.u32 v8, v2  }
0x46: {  	s8 =	sadd.s32 $0x30, s2;
	v8 =	vld.idx.msk [tilespmem:v10+s12+$0x0], $0xffff;
	v10 =	vshll.u32 v15, $0x3;
	v13 =	vand.u32 $0x7F, v13;
	v12 =	vand.u32 $0xFFFFFC00, v12  }
0x47: {  	s31 =	sor.u32 $0x200, s8;
	v10 =	vand.u32 $0xFFFFFC00, v10;
	[tilespmem:s0+$0x180] =	vst v16;
	v17 =	vld.idx.msk [tilespmem:v1+s12+$0x0], $0xffff;
	v21 =	vor.u32 v13, v12;
	v12 =	vand.u32 $0x7F, v15  }
0x48: {  	s3 =	sadd.s32 $0x10, s2;
	v11 =	vld.idx.msk [tilespmem:v11+s12+$0x0], $0xffff;
	v10 =	vor.u32 v12, v10;
	[tilespmem:s31+$0x10800] =	vst v7  }
0x49: {  	s9 =	sor.u32 $0x200, s3;
	v7 =	vor.u32 $0x280, v0;
	v9 =	vld.idx.msk [tilespmem:v9+s12+$0x0], $0xffff  }
0x4a: {  	s28 =	simm.s32 $0x200;
	s10 =	sor.u32 $0x200, s2;
	v12 =	vor.u32 $0x280, v3;
	v13 =	vld.idx.msk [tilespmem:v2+s12+$0x0], $0xffff;
	[tilespmem:s9+$0x10800] =	vst v6  }
0x4b: {  	s16 =	sand.u32 $0x3C00, s28;
	s9 =	sadd.s32 $0x20, s2;
	[tilespmem:s10+$0x10800] =	vst v8;
	v8 =	vor.u32 $0x80, v1;
	v6 =	vld.idx.msk [tilespmem:v14+s12+$0x0], $0xffff  }
0x4c: {  	s14 =	sadd.s32 $0x10800, s16;
	v14 =	vor.u32 $0x300, v5;
	s13 =	sor.u32 $0x200, s9;
	v15 =	vld.idx.msk [tilespmem:v21+s12+$0x0], $0xffff  }
0x4d: {  	s7 =	sor.u32 s1, s14;
	v16 =	vor.u32 $0x80, v2;
	[tilespmem:s13+$0x10800] =	vst v11;
	v18 =	vld.idx.msk [tilespmem:v10+s12+$0x0], $0xffff  }
0x4e: {  	s17 =	sor.u32 $0x280, s8;
	v19 =	vor.u32 $0x80, v21;
	[tilespmem:s7+$0x0] =	vst v17;
	v7 =	vld.idx.msk [tilespmem:v7+s12+$0x0], $0xffff  }
0x4f: {  	s6 =	sor.u32 s18, s14;
	v11 =	vor.u32 $0x80, v10;
	v12 =	vld.idx.msk [tilespmem:v12+s12+$0x0], $0xffff;
	[tilespmem:s17+$0x10800] =	vst v9  }
0x50: {  	s18 =	sor.u32 $0x280, s3;
	v9 =	vor.u32 $0x300, v4;
	[tilespmem:s6+$0x0] =	vst v13;
	v8 =	vld.idx.msk [tilespmem:v8+s12+$0x0], $0xffff  }
0x51: {  	s13 =	sor.u32 s20, s14;
	v13 =	vld.idx.msk [tilespmem:v14+s12+$0x0], $0xffff;
	v14 =	vor.u32 $0x300, v3;
	[tilespmem:s18+$0x10800] =	vst v6  }
0x52: {  	s1 =	sor.u32 s21, s14;
	v5 =	vor.u32 $0x380, v5;
	v16 =	vld.idx.msk [tilespmem:v16+s12+$0x0], $0xffff;
	[tilespmem:s13+$0x0] =	vst v15  }
0x53: {  	s19 =	sor.u32 $0x280, s9;
	v17 =	vor.u32 $0x100, v2;
	v15 =	vld.idx.msk [tilespmem:v19+s12+$0x0], $0xffff;
	[tilespmem:s1+$0x0] =	vst v18  }
0x54: {  	v18 =	vor.u32 $0x100, v1;
	[tilespmem:s19+$0x10800] =	vst v12;
	v20 =	vld.idx.msk [tilespmem:v11+s12+$0x0], $0xffff  }
0x55: {  	s20 =	sor.u32 $0x300, s8;
	v6 =	vor.u32 $0x100, v21;
	v22 =	vld.idx.msk [tilespmem:v9+s12+$0x0], $0xffff;
	[tilespmem:s7+$0x80] =	vst v8  }
0x56: {  	v23 =	vor.u32 $0x100, v10;
	v14 =	vld.idx.msk [tilespmem:v14+s12+$0x0], $0xffff;
	[tilespmem:s20+$0x10800] =	vst v13  }
0x57: {  	[tilespmem:s6+$0x80] =	vst v16;
	v16 =	vor.u32 $0x300, v0;
	v24 =	vld.idx.msk [tilespmem:v5+s12+$0x0], $0xffff  }
0x58: {  	v25 =	vor.u32 $0x380, v4;
	v19 =	vld.idx.msk [tilespmem:v17+s12+$0x0], $0xffff;
	[tilespmem:s13+$0x80] =	vst v15  }
0x59: {  	s31 =	sor.u32 $0x300, s3;
	v4 =	vor.u32 $0x380, v21;
	v17 =	vld.idx.msk [tilespmem:v18+s12+$0x0], $0xffff;
	[tilespmem:s1+$0x80] =	vst v20  }
0x5a: {  	s21 =	sor.u32 $0x280, s2;
	v11 =	vor.u32 $0x200, v21;
	v8 =	vor.u32 $0x280, v21;
	v18 =	vld.idx.msk [tilespmem:v6+s12+$0x0], $0xffff;
	[tilespmem:s31+$0x10800] =	vst v22;
	v22 =	vor.u32 $0x180, v2  }
0x5b: {  	s4 =	sor.u32 $0x300, s2;
	s29 =	sor.u32 $0x380, s2;
	[tilespmem:s21+$0x10800] =	vst v7;
	v13 =	vor.u32 $0x180, v21;
	v6 =	vor.u32 $0x300, v21;
	v21 =	vor.u32 $0x180, v1;
	v20 =	vld.idx.msk [tilespmem:v23+s12+$0x0], $0xffff  }
0x5c: {  	s0 =	simm.s32 $0x4;
	s3 =	sor.u32 $0x380, s3;
	s8 =	sor.u32 $0x380, s8;
	v3 =	vor.u32 $0x380, v3;
	v12 =	vor.u32 $0x180, v10;
	v7 =	vor.u32 $0x280, v10;
	v15 =	vld.idx.msk [tilespmem:v16+s12+$0x0], $0xffff  }
0x5d: {  	s2 =	simm.s32 $0x80;
	s10 =	sor.u32 $0x300, s9;
	s30 =	sor.u32 $0x380, s9;
	v9 =	vor.u32 $0x200, v10;
	v5 =	vor.u32 $0x300, v10;
	v10 =	vor.u32 $0x380, v10;
	v16 =	vld.idx.msk [tilespmem:v25+s12+$0x0], $0xffff;
	[tilespmem:s8+$0x10800] =	vst v24  }
.LBB2_3:
0x5e: {  	v23 =	vld [tilespmem:s2+$0x0];
	[tilespmem:s6+$0x100] =	vst v19;
	s26 =	sadd.s32 $0x40, s26  }
0x5f: {  	s0 =	sadd.s32 $0x4, s0;
	s8 =	sand.u32 $0x40, s26;
	[tilespmem:s7+$0x100] =	vst v17;
	v17 =	vld.idx.msk [tilespmem:v22+s12+$0x0], $0xffff  }
0x60: {  	s14 =	sand.u32 $0x780, s26;
	p2 =	slt.u32 s0, $0x7C;
	s9 =	sor.u32 $0x30, s8;
	v19 =	vld.idx.msk [tilespmem:v21+s12+$0x0], $0xffff;
	[tilespmem:s13+$0x100] =	vst v18  }
0x61: {  	s17 =	sor.u32 $0x10, s8;
	s16 =	sor.u32 $0x20, s8;
	v18 =	vor.u32 $0x200, v2;
	s18 =	sor.u32 s9, s14;
	v13 =	vld.idx.msk [tilespmem:v13+s12+$0x0], $0xffff;
	[tilespmem:s1+$0x100] =	vst v20  }
0x62: {  	v21 =	vor.u32 $0x200, v1;
	s19 =	sor.u32 s17, s14;
	s14 =	sor.u32 s16, s14;
	v20 =	vld [tilespmem:s18+$0x0];
	[tilespmem:s10+$0x10800] =	vst v14  }
0x63: {  	v14 =	vld [tilespmem:s19+$0x0];
	[tilespmem:s4+$0x10800] =	vst v15  }
0x64: {  	v15 =	vshll.u32 v23, $0x3;
	v22 =	vld [tilespmem:s14+$0x0];
	[tilespmem:s3+$0x10800] =	vst v16  }
0x65: {  	v16 =	vand.u32 $0x7F, v23;
	v15 =	vand.u32 $0xFFFFFC00, v15;
	v12 =	vld.idx.msk [tilespmem:v12+s12+$0x0], $0xffff;
	[tilespmem:s6+$0x180] =	vst v17;
	v17 =	vor.u32 $0x380, v0;
	v0 =	vmovc v1  }
0x66: {  	p1 =	por !p1, !p1;
	s3 =	simm.s32 $0x1;
	v1 =	vor.u32 v16, v15;
	[tilespmem:s7+$0x180] =	vst v19;
	v15 =	vld.idx.msk [tilespmem:v18+s12+$0x0], $0xffff  }
0x67: {  	s3 =	simm.s32 @!p1 $0x0;
	v16 =	vshll.u32 v20, $0x3;
	v18 =	vld.idx.msk [tilespmem:v21+s12+$0x0], $0xffff;
	[tilespmem:s13+$0x180] =	vst v13  }
0x68: {  	s3 =	sshll.u32 s3, $0x6;
	v13 =	vand.u32 $0x7F, v20;
	v16 =	vand.u32 $0xFFFFFC00, v16;
	v19 =	vld.idx.msk [tilespmem:v11+s12+$0x0], $0xffff;
	v11 =	vor.u32 $0x280, v2  }
0x69: {  	s6 =	sadd.s32 s3, s28;
	v20 =	vshll.u32 v14, $0x3;
	v21 =	vshll.u32 v22, $0x3;
	v16 =	vor.u32 v13, v16;
	v23 =	vld.idx.msk [tilespmem:v3+s12+$0x0], $0xffff;
	v3 =	vmovc v10  }
0x6a: {  	s3 =	sadd.s32 $0x10, s6;
	s7 =	sadd.s32 $0x20, s6;
	s21 =	sadd.s32 $0x30, s6;
	v10 =	vand.u32 $0x7F, v14;
	v13 =	vand.u32 $0xFFFFFC00, v20;
	v14 =	vand.u32 $0xFFFFFC00, v21;
	v17 =	vld.idx.msk [tilespmem:v17+s12+$0x0], $0xffff  }
0x6b: {  	s13 =	sor.u32 $0x200, s3;
	s4 =	sor.u32 $0x200, s21;
	v10 =	vor.u32 v10, v13;
	v13 =	vand.u32 $0x7F, v22;
	v21 =	vor.u32 $0x280, v0;
	v20 =	vld.idx.msk [tilespmem:v1+s12+$0x0], $0xffff;
	[tilespmem:s1+$0x180] =	vst v12;
	s1 =	sor.u32 $0x200, s7  }
0x6c: {  	s10 =	sor.u32 $0x200, s6;
	s31 =	sor.u32 $0x280, s3;
	s19 =	sor.u32 $0x280, s7;
	v22 =	vor.u32 $0x80, v10;
	v24 =	vor.u32 $0x100, v10;
	v14 =	vor.u32 v13, v14;
	v25 =	vld.idx.msk [tilespmem:v9+s12+$0x0], $0xffff;
	[tilespmem:s4+$0x10800] =	vst v15  }
0x6d: {  	s18 =	sor.u32 $0x280, s6;
	s14 =	sor.u32 $0x300, s3;
	v13 =	vor.u32 $0x180, v10;
	v15 =	vor.u32 $0x80, v14;
	v26 =	vor.u32 $0x100, v14;
	[tilespmem:s10+$0x10800] =	vst v18;
	s10 =	sor.u32 $0x300, s7;
	v18 =	vld.idx.msk [tilespmem:v11+s12+$0x0], $0xffff  }
0x6e: {  	s3 =	sor.u32 $0x380, s3;
	v12 =	vor.u32 $0x180, v14;
	v9 =	vor.u32 $0x200, v14;
	s4 =	sor.u32 $0x300, s6;
	v11 =	vor.u32 $0x200, v10;
	s7 =	sor.u32 $0x380, s7;
	v27 =	vld.idx.msk [tilespmem:v16+s12+$0x0], $0xffff;
	[tilespmem:s13+$0x10800] =	vst v19  }
0x6f: {  	v29 =	vor.u32 $0x300, v2;
	s6 =	sor.u32 $0x380, s6;
	v19 =	vor.u32 $0x280, v14;
	v28 =	vld.idx.msk [tilespmem:v8+s12+$0x0], $0xffff;
	v8 =	vor.u32 $0x280, v10;
	[tilespmem:s30+$0x10800] =	vst v23;
	s30 =	smov.u32 s7  }
0x70: {  	s28 =	sadd.s32 $0x200, s28;
	v32 =	vor.u32 $0x80, v16;
	v30 =	vor.u32 $0x300, v10;
	v31 =	vor.u32 $0x300, v14;
	v23 =	vld.idx.msk [tilespmem:v10+s12+$0x0], $0xffff;
	[tilespmem:s29+$0x10800] =	vst v17;
	s29 =	smov.u32 s6  }
0x71: {  	v33 =	vor.u32 $0x380, v10;
	s6 =	sand.u32 $0x3C00, s28;
	v17 =	vor.u32 $0x80, v1;
	v10 =	vor.u32 $0x380, v14;
	v34 =	vld.idx.msk [tilespmem:v14+s12+$0x0], $0xffff  }
0x72: {  	s20 =	sadd.s32 $0x10800, s6;
	v35 =	vld.idx.msk [tilespmem:v21+s12+$0x0], $0xffff;
	[tilespmem:s1+$0x10800] =	vst v25;
	s1 =	sor.u32 $0x280, s21  }
0x73: {  	s7 =	sor.u32 s8, s20;
	s13 =	sor.u32 s17, s20;
	s6 =	sor.u32 s9, s20;
	v14 =	vld.idx.msk [tilespmem:v7+s12+$0x0], $0xffff;
	[tilespmem:s1+$0x10800] =	vst v18;
	v7 =	vmov v19  }
0x74: {  	s1 =	sor.u32 s16, s20;
	[tilespmem:s6+$0x0] =	vst v27;
	v18 =	vld.idx.msk [tilespmem:v29+s12+$0x0], $0xffff  }
0x75: {  	[tilespmem:s7+$0x0] =	vst v20;
	v19 =	vld.idx.msk [tilespmem:v32+s12+$0x0], $0xffff  }
0x76: {  	v20 =	vor.u32 $0x380, v2;
	v2 =	vmov v16;
	v17 =	vld.idx.msk [tilespmem:v17+s12+$0x0], $0xffff;
	[tilespmem:s13+$0x0] =	vst v23  }
0x77: {  	v21 =	vor.u32 $0x100, v2;
	v16 =	vld.idx.msk [tilespmem:v22+s12+$0x0], $0xffff;
	[tilespmem:s1+$0x0] =	vst v34  }
0x78: {  	v22 =	vor.u32 $0x100, v1;
	v15 =	vld.idx.msk [tilespmem:v15+s12+$0x0], $0xffff;
	[tilespmem:s31+$0x10800] =	vst v28  }
0x79: {  	s8 =	sor.u32 $0x300, s21;
	v23 =	vld.idx.msk [tilespmem:v6+s12+$0x0], $0xffff;
	[tilespmem:s19+$0x10800] =	vst v14;
	v6 =	vmov v30  }
0x7a: {  	v14 =	vld.idx.msk [tilespmem:v5+s12+$0x0], $0xffff;
	[tilespmem:s8+$0x10800] =	vst v18;
	v5 =	vmov v31  }
0x7b: {  	v25 =	vor.u32 $0x300, v0;
	[tilespmem:s6+$0x80] =	vst v19;
	v27 =	vld.idx.msk [tilespmem:v20+s12+$0x0], $0xffff  }
0x7c: {  	[tilespmem:s7+$0x80] =	vst v17;
	v19 =	vld.idx.msk [tilespmem:v21+s12+$0x0], $0xffff  }
.Ltmp0:
0x7d: {  	v17 =	vld.idx.msk [tilespmem:v22+s12+$0x0], $0xffff;
	[tilespmem:s13+$0x80] =	vst v16;
	(pc) =	sbr.rel @p2 .LBB2_3-.Ltmp0, $4  }
0x7e: {  	v22 =	vor.u32 $0x180, v2;
	v18 =	vld.idx.msk [tilespmem:v24+s12+$0x0], $0xffff;
	[tilespmem:s1+$0x80] =	vst v15  }
0x7f: {  	v21 =	vor.u32 $0x180, v1;
	v20 =	vld.idx.msk [tilespmem:v26+s12+$0x0], $0xffff;
	[tilespmem:s18+$0x10800] =	vst v35  }
0x80: {  	s8 =	sor.u32 $0x380, s21;
	v15 =	vld.idx.msk [tilespmem:v25+s12+$0x0], $0xffff;
	[tilespmem:s14+$0x10800] =	vst v23  }
0x81: {  	s2 =	sadd.s32 $0x40, s2;
	v16 =	vld.idx.msk [tilespmem:v4+s12+$0x0], $0xffff;
	[tilespmem:s8+$0x10800] =	vst v27;
	v4 =	vmov v33  }
0x82: {  	_ =	sdelay $0x2  }
0x83: {  	[tilespmem:s6+$0x100] =	vst v19  }
0x84: {  	v19 =	vld.idx.msk [tilespmem:v22+s12+$0x0], $0xffff;
	[tilespmem:s13+$0x100] =	vst v18  }
0x85: {  	[tilespmem:s7+$0x100] =	vst v17;
	v18 =	vor.u32 $0x200, v2;
	v13 =	vld.idx.msk [tilespmem:v13+s12+$0x0], $0xffff  }
0x86: {  	v17 =	vld.idx.msk [tilespmem:v21+s12+$0x0], $0xffff;
	[tilespmem:s1+$0x100] =	vst v20  }
0x87: {  	v20 =	vor.u32 $0x200, v1;
	v12 =	vld.idx.msk [tilespmem:v12+s12+$0x0], $0xffff;
	_ =	sdelay $0x1  }
0x88: {  	p1 =	por !p1, !p1;
	s0 =	simm.s32 $0x1;
	[tilespmem:s6+$0x180] =	vst v19  }
0x89: {  	s0 =	simm.s32 @!p1 $0x0;
	v18 =	vld.idx.msk [tilespmem:v18+s12+$0x0], $0xffff;
	[tilespmem:s13+$0x180] =	vst v13  }
0x8a: {  	s0 =	sshll.u32 s0, $0x6;
	[tilespmem:s7+$0x180] =	vst v17;
	v13 =	vor.u32 $0x280, v2;
	v11 =	vld.idx.msk [tilespmem:v11+s12+$0x0], $0xffff  }
0x8b: {  	s0 =	sadd.s32 s0, s28;
	[tilespmem:s1+$0x180] =	vst v12;
	v12 =	vld.idx.msk [tilespmem:v20+s12+$0x0], $0xffff  }
0x8c: {  	s7 =	sadd.s32 $0x30, s0;
	v17 =	vor.u32 $0x280, v1;
	v9 =	vld.idx.msk [tilespmem:v9+s12+$0x0], $0xffff  }
0x8d: {  	s2 =	sadd.s32 $0x10, s0;
	s19 =	sor.u32 $0x200, s7  }
0x8e: {  	s8 =	sor.u32 $0x200, s2;
	[tilespmem:s19+$0x10800] =	vst v18  }
0x8f: {  	s20 =	sadd.s32 $0x20, s0;
	s26 =	sor.u32 $0x200, s0;
	v13 =	vld.idx.msk [tilespmem:v13+s12+$0x0], $0xffff;
	[tilespmem:s8+$0x10800] =	vst v11  }
0x90: {  	s21 =	sor.u32 $0x200, s20;
	v11 =	vor.u32 $0x300, v2;
	[tilespmem:s26+$0x10800] =	vst v12;
	v8 =	vld.idx.msk [tilespmem:v8+s12+$0x0], $0xffff  }
0x91: {  	[tilespmem:s21+$0x10800] =	vst v9;
	v9 =	vld.idx.msk [tilespmem:v17+s12+$0x0], $0xffff  }
0x92: {  	v12 =	vor.u32 $0x300, v1;
	v7 =	vld.idx.msk [tilespmem:v7+s12+$0x0], $0xffff  }
0x93: {  	[tilespmem:s10+$0x10800] =	vst v14;
	s8 =	sor.u32 $0x280, s7  }
0x94: {  	s9 =	sor.u32 $0x280, s2;
	[tilespmem:s8+$0x10800] =	vst v13  }
0x95: {  	v0 =	vor.u32 $0x380, v0;
	s13 =	sor.u32 $0x280, s0;
	v11 =	vld.idx.msk [tilespmem:v11+s12+$0x0], $0xffff;
	[tilespmem:s9+$0x10800] =	vst v8  }
0x96: {  	s10 =	sor.u32 $0x280, s20;
	v2 =	vor.u32 $0x380, v2;
	[tilespmem:s13+$0x10800] =	vst v9;
	v6 =	vld.idx.msk [tilespmem:v6+s12+$0x0], $0xffff  }
0x97: {  	[tilespmem:s10+$0x10800] =	vst v7;
	v7 =	vld.idx.msk [tilespmem:v12+s12+$0x0], $0xffff  }
0x98: {  	[tilespmem:s4+$0x10800] =	vst v15;
	v1 =	vor.u32 $0x380, v1;
	v5 =	vld.idx.msk [tilespmem:v5+s12+$0x0], $0xffff  }
0x99: {  	v3 =	vld.idx.msk [tilespmem:v3+s12+$0x0], $0xffff;
	[tilespmem:s3+$0x10800] =	vst v16;
	s14 =	sor.u32 $0x300, s7  }
0x9a: {  	v0 =	vld.idx.msk [tilespmem:v0+s12+$0x0], $0xffff;
	s16 =	sor.u32 $0x300, s2;
	[tilespmem:s14+$0x10800] =	vst v11  }
0x9b: {  	s18 =	sor.u32 $0x300, s0;
	v2 =	vld.idx.msk [tilespmem:v2+s12+$0x0], $0xffff;
	[tilespmem:s16+$0x10800] =	vst v6  }
0x9c: {  	s17 =	sor.u32 $0x300, s20;
	[tilespmem:s18+$0x10800] =	vst v7;
	v4 =	vld.idx.msk [tilespmem:v4+s12+$0x0], $0xffff  }
0x9d: {  	[tilespmem:s17+$0x10800] =	vst v5;
	v1 =	vld.idx.msk [tilespmem:v1+s12+$0x0], $0xffff  }
0x9e: {  	[tilespmem:s30+$0x10800] =	vst v3;
	v5 =	vld.idx.msk [tilespmem:v10+s12+$0x0], $0xffff  }
0x9f: {  	s1 =	sor.u32 $0x380, s7;
	[tilespmem:s29+$0x10800] =	vst v0  }
0xa0: {  	s2 =	sor.u32 $0x380, s2;
	[tilespmem:s1+$0x10800] =	vst v2  }
0xa1: {  	s0 =	sor.u32 $0x380, s0;
	[tilespmem:s2+$0x10800] =	vst v4  }
0xa2: {  	s19 =	sor.u32 $0x380, s20;
	[tilespmem:s0+$0x10800] =	vst v1  }
0xa3: {  	[tilespmem:s19+$0x10800] =	vst v5  }
0xa4: {  	s0 =	rddreg [dreg:$0x6]  }
0xa5: {  	s20 =	simm.s32 $0x10800;
	s0 =	sadd.s32 s25, s0  }
0xa6: {  	[hbm4b:s0+s5] =	stream.linear.scatter [tilespmem:s20], [sflag:$0x3], $0x4000, $0x38;
	[tilespmem:$0x18800] =	vst v63  }
0xa7: {  	s26 =	simm.s32 $0x0;
	s0 =	simm.s32 @!p0 $0x4  }
0xa8: {  	s21 =	sand.u32 $0x40, s26;
	_ =	swait.ge @!p0 [sflag:s0], $0x4000  }
0xa9: {  	s3 =	sand.u32 $0x780, s26;
	s4 =	sor.u32 $0x30, s21;
	[sflag:s0] =	ssyncset.done @!p0 $0x0  }
0xaa: {  	s6 =	sor.u32 s4, s3;
	[sflag:s0] =	ssyncadd.s32 @!p0 $0xFFFFC000  }
0xab: {  	v0 =	vld [tilespmem:s6+$0x0]  }
0xac: {  	v1 =	vld [tilespmem:s26+$0x0]  }
0xad: {  	s7 =	sor.u32 $0x10, s21  }
0xae: {  	s8 =	sor.u32 $0x20, s21;
	s9 =	sor.u32 s7, s3  }
0xaf: {  	s2 =	sor.u32 s8, s3;
	v2 =	vld [tilespmem:s9+$0x0]  }
0xb0: {  	v3 =	vld [tilespmem:s2+$0x0];
	v4 =	vshll.u32 v0, $0x3  }
0xb1: {  	v5 =	vshll.u32 v1, $0x3;
	v0 =	vand.u32 $0x7F, v0;
	v4 =	vand.u32 $0xFFFFFC00, v4  }
0xb2: {  	v6 =	vand.u32 $0x7F, v1;
	v5 =	vand.u32 $0xFFFFFC00, v5;
	v1 =	vor.u32 v0, v4  }
0xb3: {  	v0 =	vor.u32 v6, v5;
	v4 =	vadd.s32 $0x4000, v1  }
0xb4: {  	v6 =	vshll.u32 v2, $0x3;
	v5 =	vadd.s32 $0x4000, v0  }
0xb5: {  	v7 =	vshll.u32 v3, $0x3;
	v2 =	vand.u32 $0x7F, v2;
	v6 =	vand.u32 $0xFFFFFC00, v6  }
0xb6: {  	v3 =	vand.u32 $0x7F, v3;
	v7 =	vand.u32 $0xFFFFFC00, v7;
	v9 =	vor.u32 v2, v6  }
0xb7: {  	v3 =	vor.u32 v3, v7;
	v2 =	vadd.s32 $0x4000, v9  }
0xb8: {  	v6 =	vadd.s32 $0x4000, v3;
	v4 =	vld.idx.msk [tilespmem:v4+s12+$0x0], $0xffff  }
0xb9: {  	v7 =	vadd.s32 $0x4080, v1;
	v5 =	vld.idx.msk [tilespmem:v5+s12+$0x0], $0xffff  }
0xba: {  	s10 =	sand.u32 $0x3C00, s26;
	v8 =	vadd.s32 $0x4080, v0  }
0xbb: {  	s13 =	sadd.s32 $0x14800, s10  }
0xbc: {  	s3 =	sor.u32 s4, s13;
	v2 =	vld.idx.msk [tilespmem:v2+s12+$0x0], $0xffff  }
0xbd: {  	s2 =	sor.u32 s21, s13;
	v10 =	vadd.s32 $0x4080, v9;
	v6 =	vld.idx.msk [tilespmem:v6+s12+$0x0], $0xffff;
	[tilespmem:s3+$0x0] =	vst v4  }
0xbe: {  	v4 =	vadd.s32 $0x4080, v3;
	[tilespmem:s2+$0x0] =	vst v5;
	v5 =	vld.idx.msk [tilespmem:v7+s12+$0x0], $0xffff  }
0xbf: {  	v7 =	vld.idx.msk [tilespmem:v8+s12+$0x0], $0xffff;
	v8 =	vadd.s32 $0x4100, v1  }
0xc0: {  	s14 =	sor.u32 s7, s13  }
0xc1: {  	s16 =	sor.u32 s8, s13;
	v11 =	vadd.s32 $0x4100, v0;
	[tilespmem:s14+$0x0] =	vst v2  }
0xc2: {  	[tilespmem:s16+$0x0] =	vst v6;
	v2 =	vld.idx.msk [tilespmem:v10+s12+$0x0], $0xffff  }
0xc3: {  	s30 =	simm.s32 $0x40;
	v6 =	vadd.s32 $0x4100, v9;
	v4 =	vld.idx.msk [tilespmem:v4+s12+$0x0], $0xffff;
	[tilespmem:s3+$0x80] =	vst v5  }
0xc4: {  	s31 =	sand.u32 $0x40, s30;
	v5 =	vadd.s32 $0x4100, v3;
	[tilespmem:s2+$0x80] =	vst v7;
	v7 =	vld.idx.msk [tilespmem:v8+s12+$0x0], $0xffff  }
0xc5: {  	s7 =	sor.u32 $0x30, s31;
	s20 =	sand.u32 $0x780, s30;
	v12 =	vld [tilespmem:s30+$0x0];
	v10 =	vadd.s32 $0x4180, v1  }
0xc6: {  	s8 =	sor.u32 s7, s20;
	v8 =	vld.idx.msk [tilespmem:v11+s12+$0x0], $0xffff  }
0xc7: {  	v16 =	vld [tilespmem:s8+$0x0];
	v11 =	vadd.s32 $0x4180, v0;
	[tilespmem:s14+$0x80] =	vst v2  }
0xc8: {  	v2 =	vld.idx.msk [tilespmem:v6+s12+$0x0], $0xffff;
	[tilespmem:s16+$0x80] =	vst v4  }
0xc9: {  	s21 =	sor.u32 $0x10, s31;
	v13 =	vadd.s32 $0x4180, v9;
	v5 =	vld.idx.msk [tilespmem:v5+s12+$0x0], $0xffff;
	[tilespmem:s3+$0x100] =	vst v7  }
0xca: {  	s9 =	sor.u32 s21, s20;
	v15 =	vadd.s32 $0x4180, v3;
	v17 =	vadd.s32 $0x4200, v1;
	v19 =	vadd.s32 $0x4200, v0;
	v10 =	vld.idx.msk [tilespmem:v10+s12+$0x0], $0xffff  }
0xcb: {  	s13 =	sor.u32 $0x20, s31;
	v18 =	vld [tilespmem:s9+$0x0];
	v14 =	vadd.s32 $0x4200, v9;
	v6 =	vadd.s32 $0x4300, v9;
	v4 =	vshll.u32 v12, $0x3;
	[tilespmem:s2+$0x100] =	vst v8  }
0xcc: {  	s4 =	sor.u32 s13, s20;
	v4 =	vand.u32 $0xFFFFFC00, v4;
	v8 =	vadd.s32 $0x4280, v9;
	v7 =	vand.u32 $0x7F, v12;
	v11 =	vld.idx.msk [tilespmem:v11+s12+$0x0], $0xffff  }
0xcd: {  	v12 =	vld [tilespmem:s4+$0x0];
	[tilespmem:s14+$0x100] =	vst v2;
	v2 =	vor.u32 v7, v4;
	v4 =	vadd.s32 $0x4380, v9;
	v9 =	vshll.u32 v16, $0x3  }
0xce: {  	v16 =	vand.u32 $0x7F, v16;
	v13 =	vld.idx.msk [tilespmem:v13+s12+$0x0], $0xffff;
	v21 =	vadd.s32 $0x4000, v2;
	v9 =	vand.u32 $0xFFFFFC00, v9;
	[tilespmem:s16+$0x100] =	vst v5  }
0xcf: {  	p0 =	por $0x0, $0x0;
	v20 =	vadd.s32 $0x4200, v3;
	v9 =	vor.u32 v16, v9;
	[tilespmem:s3+$0x180] =	vst v10;
	s3 =	simm.s32 $0x1  }
0xd0: {  	v25 =	vadd.s32 $0x4280, v1;
	v31 =	vadd.s32 $0x4280, v0;
	v15 =	vld.idx.msk [tilespmem:v15+s12+$0x0], $0xffff;
	v29 =	vadd.s32 $0x4000, v9;
	s3 =	simm.s32 @!p0 $0x0  }
0xd1: {  	v7 =	vadd.s32 $0x4280, v3;
	v5 =	vadd.s32 $0x4300, v3;
	v3 =	vadd.s32 $0x4380, v3;
	[tilespmem:s2+$0x180] =	vst v11;
	v10 =	vld.idx.msk [tilespmem:v17+s12+$0x0], $0xffff;
	s10 =	sshll.u32 s3, $0x6  }
0xd2: {  	v11 =	vshll.u32 v12, $0x3;
	v12 =	vand.u32 $0x7F, v12;
	v17 =	vshll.u32 v18, $0x3;
	v27 =	vld.idx.msk [tilespmem:v19+s12+$0x0], $0xffff;
	s18 =	sadd.s32 $0x0, s10  }
0xd3: {  	v11 =	vand.u32 $0xFFFFFC00, v11;
	v18 =	vand.u32 $0x7F, v18;
	v16 =	vand.u32 $0xFFFFFC00, v17;
	v17 =	vld.idx.msk [tilespmem:v21+s12+$0x0], $0xffff;
	[tilespmem:s14+$0x180] =	vst v13;
	s10 =	simm.s32 $0x4;
	s4 =	sadd.s32 $0x10, s18;
	s2 =	sadd.s32 $0x30, s18  }
0xd4: {  	v19 =	vadd.s32 $0x4080, v2;
	v12 =	vor.u32 v12, v11;
	v13 =	vor.u32 v18, v16;
	v23 =	vld.idx.msk [tilespmem:v14+s12+$0x0], $0xffff;
	s19 =	sadd.s32 $0x20, s18;
	s20 =	sor.u32 $0x200, s18;
	s3 =	sor.u32 $0x300, s18  }
0xd5: {  	v26 =	vadd.s32 $0x4000, v12;
	v22 =	vadd.s32 $0x4080, v12;
	[tilespmem:s16+$0x180] =	vst v15;
	v28 =	vadd.s32 $0x4000, v13;
	v30 =	vld.idx.msk [tilespmem:v29+s12+$0x0], $0xffff;
	s29 =	sor.u32 $0x380, s18;
	s17 =	sor.u32 $0x200, s4;
	s14 =	sor.u32 $0x200, s2  }
0xd6: {  	v16 =	vadd.s32 $0x4100, v12;
	v14 =	vadd.s32 $0x4180, v12;
	v11 =	vadd.s32 $0x4200, v12;
	s16 =	sor.u32 $0x200, s19;
	s8 =	sor.u32 $0x280, s4;
	v24 =	vld.idx.msk [tilespmem:v20+s12+$0x0], $0xffff;
	s9 =	sor.u32 $0x280, s19;
	[tilespmem:s14+$0x14800] =	vst v10  }
0xd7: {  	v21 =	vadd.s32 $0x4080, v13;
	v18 =	vadd.s32 $0x4100, v13;
	v15 =	vadd.s32 $0x4180, v13;
	s6 =	sor.u32 $0x300, s4;
	s1 =	sor.u32 $0x300, s19;
	s0 =	sor.u32 $0x380, s4;
	[tilespmem:s20+$0x14800] =	vst v27;
	v25 =	vld.idx.msk [tilespmem:v25+s12+$0x0], $0xffff  }
0xd8: {  	v29 =	vadd.s32 $0x4300, v1;
	s28 =	sor.u32 $0x380, s19;
	v20 =	vadd.s32 $0x4280, v13;
	s4 =	simm.s32 $0x80;
	s14 =	sor.u32 $0x280, s18;
	v10 =	vadd.s32 $0x4200, v13;
	v27 =	vld.idx.msk [tilespmem:v31+s12+$0x0], $0xffff  }
.LBB2_5:
0xd9: {  	v31 =	vld [tilespmem:s4+$0x0];
	v32 =	vadd.s32 $0x4300, v13;
	v33 =	vadd.s32 $0x4280, v12;
	v34 =	vadd.s32 $0x4080, v9;
	s26 =	sadd.s32 $0x200, s26  }
0xda: {  	v13 =	vadd.s32 $0x4380, v13;
	v35 =	vadd.s32 $0x4300, v12;
	v12 =	vadd.s32 $0x4380, v12;
	s18 =	sand.u32 $0x3C00, s26;
	v28 =	vld.idx.msk [tilespmem:v28+s12+$0x0], $0xffff;
	[tilespmem:s17+$0x14800] =	vst v23  }
0xdb: {  	s20 =	sadd.s32 $0x14800, s18;
	v23 =	vld.idx.msk [tilespmem:v26+s12+$0x0], $0xffff;
	[tilespmem:s16+$0x14800] =	vst v24;
	s16 =	sor.u32 $0x280, s2  }
0xdc: {  	s18 =	sor.u32 s31, s20;
	s17 =	sor.u32 s21, s20;
	s19 =	sor.u32 s7, s20;
	v24 =	vld.idx.msk [tilespmem:v8+s12+$0x0], $0xffff;
	[tilespmem:s16+$0x14800] =	vst v25;
	v8 =	vmov v20  }
0xdd: {  	s16 =	sor.u32 s13, s20;
	[tilespmem:s19+$0x0] =	vst v30;
	v20 =	vld.idx.msk [tilespmem:v29+s12+$0x0], $0xffff  }
0xde: {  	[tilespmem:s18+$0x0] =	vst v17;
	v17 =	vld.idx.msk [tilespmem:v34+s12+$0x0], $0xffff  }
0xdf: {  	v25 =	vadd.s32 $0x4380, v1;
	v1 =	vmov v9;
	v19 =	vld.idx.msk [tilespmem:v19+s12+$0x0], $0xffff;
	[tilespmem:s14+$0x14800] =	vst v27  }
0xe0: {  	v9 =	vadd.s32 $0x4100, v1;
	[tilespmem:s17+$0x0] =	vst v28;
	v26 =	vld.idx.msk [tilespmem:v7+s12+$0x0], $0xffff;
	v7 =	vmov v33  }
0xe1: {  	v27 =	vadd.s32 $0x4100, v2;
	v21 =	vld.idx.msk [tilespmem:v21+s12+$0x0], $0xffff;
	[tilespmem:s16+$0x0] =	vst v23  }
0xe2: {  	s7 =	sor.u32 $0x300, s2;
	v22 =	vld.idx.msk [tilespmem:v22+s12+$0x0], $0xffff;
	[tilespmem:s8+$0x14800] =	vst v24  }
0xe3: {  	v23 =	vld.idx.msk [tilespmem:v6+s12+$0x0], $0xffff;
	[tilespmem:s7+$0x14800] =	vst v20;
	v6 =	vmov v32  }
0xe4: {  	[tilespmem:s19+$0x80] =	vst v17;
	v17 =	vld.idx.msk [tilespmem:v25+s12+$0x0], $0xffff  }
0xe5: {  	[tilespmem:s18+$0x80] =	vst v19;
	v9 =	vld.idx.msk [tilespmem:v9+s12+$0x0], $0xffff;
	v19 =	vadd.s32 $0x4300, v0  }
0xe6: {  	v20 =	vld.idx.msk [tilespmem:v27+s12+$0x0], $0xffff;
	[tilespmem:s9+$0x14800] =	vst v26  }
0xe7: {  	[tilespmem:s17+$0x80] =	vst v21;
	v21 =	vadd.s32 $0x4180, v1;
	v24 =	vld.idx.msk [tilespmem:v5+s12+$0x0], $0xffff;
	v5 =	vmov v35  }
0xe8: {  	v25 =	vadd.s32 $0x4180, v2;
	v18 =	vld.idx.msk [tilespmem:v18+s12+$0x0], $0xffff;
	[tilespmem:s16+$0x80] =	vst v22  }
0xe9: {  	s2 =	sor.u32 $0x380, s2;
	v16 =	vld.idx.msk [tilespmem:v16+s12+$0x0], $0xffff;
	[tilespmem:s6+$0x14800] =	vst v23  }
0xea: {  	s30 =	sadd.s32 $0x40, s30;
	v19 =	vld.idx.msk [tilespmem:v19+s12+$0x0], $0xffff;
	[tilespmem:s2+$0x14800] =	vst v17  }
0xeb: {  	s10 =	sadd.s32 $0x4, s10;
	s31 =	sand.u32 $0x40, s30;
	[tilespmem:s19+$0x100] =	vst v9;
	v9 =	vld.idx.msk [tilespmem:v4+s12+$0x0], $0xffff;
	v4 =	vmov v13  }
0xec: {  	p1 =	slt.u32 s10, $0x7C;
	s7 =	sor.u32 $0x30, s31;
	s2 =	sand.u32 $0x780, s30;
	[tilespmem:s18+$0x100] =	vst v20;
	v13 =	vld.idx.msk [tilespmem:v21+s12+$0x0], $0xffff  }
0xed: {  	s21 =	sor.u32 $0x10, s31;
	s13 =	sor.u32 $0x20, s31;
	s6 =	sor.u32 s7, s2;
	v17 =	vld.idx.msk [tilespmem:v25+s12+$0x0], $0xffff;
	[tilespmem:s1+$0x14800] =	vst v24  }
0xee: {  	s1 =	sor.u32 s21, s2;
	s2 =	sor.u32 s13, s2;
	v20 =	vld [tilespmem:s6+$0x0];
	[tilespmem:s17+$0x100] =	vst v18;
	v18 =	vadd.s32 $0x4200, v1  }
0xef: {  	v23 =	vadd.s32 $0x4200, v2;
	v21 =	vshll.u32 v31, $0x3;
	v22 =	vld [tilespmem:s1+$0x0];
	[tilespmem:s16+$0x100] =	vst v16  }
0xf0: {  	v21 =	vand.u32 $0xFFFFFC00, v21;
	v16 =	vand.u32 $0x7F, v31;
	v24 =	vld [tilespmem:s2+$0x0];
	[tilespmem:s3+$0x14800] =	vst v19  }
0xf1: {  	v19 =	vadd.s32 $0x4380, v0;
	v0 =	vmov v2;
	v2 =	vor.u32 v16, v21;
	v15 =	vld.idx.msk [tilespmem:v15+s12+$0x0], $0xffff;
	[tilespmem:s0+$0x14800] =	vst v9  }
0xf2: {  	p0 =	por !p0, !p0;
	v16 =	vadd.s32 $0x4000, v2;
	s0 =	simm.s32 $0x1;
	v14 =	vld.idx.msk [tilespmem:v14+s12+$0x0], $0xffff;
	[tilespmem:s19+$0x180] =	vst v13  }
0xf3: {  	s0 =	simm.s32 @!p0 $0x0;
	v9 =	vshll.u32 v20, $0x3;
	[tilespmem:s18+$0x180] =	vst v17;
	v18 =	vld.idx.msk [tilespmem:v18+s12+$0x0], $0xffff  }
0xf4: {  	v17 =	vand.u32 $0x7F, v20;
	s0 =	sshll.u32 s0, $0x6;
	v13 =	vshll.u32 v22, $0x3;
	v9 =	vand.u32 $0xFFFFFC00, v9;
	v20 =	vld.idx.msk [tilespmem:v23+s12+$0x0], $0xffff  }
0xf5: {  	v25 =	vadd.s32 $0x4280, v1;
	s18 =	sadd.s32 s0, s26;
	v21 =	vshll.u32 v24, $0x3;
	v9 =	vor.u32 v17, v9;
	v27 =	vld.idx.msk [tilespmem:v3+s12+$0x0], $0xffff;
	v3 =	vmovc v12  }
0xf6: {  	v12 =	vand.u32 $0xFFFFFC00, v13;
	s2 =	sadd.s32 $0x30, s18;
	v21 =	vand.u32 $0xFFFFFC00, v21;
	v29 =	vadd.s32 $0x4000, v9;
	v31 =	vld.idx.msk [tilespmem:v19+s12+$0x0], $0xffff  }
0xf7: {  	v32 =	vadd.s32 $0x4280, v0;
	v13 =	vand.u32 $0x7F, v22;
	s0 =	sadd.s32 $0x10, s18;
	s19 =	sadd.s32 $0x20, s18;
	s1 =	sor.u32 $0x200, s2;
	v17 =	vld.idx.msk [tilespmem:v16+s12+$0x0], $0xffff;
	v16 =	vand.u32 $0x7F, v24;
	[tilespmem:s17+$0x180] =	vst v15  }
.Ltmp1:
0xf8: {  	v19 =	vadd.s32 $0x4080, v2;
	v13 =	vor.u32 v13, v12;
	s17 =	sor.u32 $0x200, s0;
	v12 =	vor.u32 v16, v21;
	v23 =	vld.idx.msk [tilespmem:v10+s12+$0x0], $0xffff;
	[tilespmem:s16+$0x180] =	vst v14;
	s16 =	sor.u32 $0x200, s19;
	(pc) =	sbr.rel @p1 .LBB2_5-.Ltmp1, $4  }
0xf9: {  	s3 =	sor.u32 $0x200, s18;
	s8 =	sor.u32 $0x280, s0;
	s9 =	sor.u32 $0x280, s19;
	v28 =	vadd.s32 $0x4000, v13;
	v21 =	vadd.s32 $0x4080, v13;
	v26 =	vadd.s32 $0x4000, v12;
	v24 =	vld.idx.msk [tilespmem:v11+s12+$0x0], $0xffff;
	[tilespmem:s1+$0x14800] =	vst v18  }
0xfa: {  	s14 =	sor.u32 $0x280, s18;
	s6 =	sor.u32 $0x300, s0;
	v18 =	vadd.s32 $0x4100, v13;
	v22 =	vadd.s32 $0x4080, v12;
	v16 =	vadd.s32 $0x4100, v12;
	s1 =	sor.u32 $0x300, s19;
	[tilespmem:s3+$0x14800] =	vst v20;
	v25 =	vld.idx.msk [tilespmem:v25+s12+$0x0], $0xffff  }
0xfb: {  	v15 =	vadd.s32 $0x4180, v13;
	s0 =	sor.u32 $0x380, s0;
	v10 =	vadd.s32 $0x4200, v13;
	v14 =	vadd.s32 $0x4180, v12;
	s3 =	sor.u32 $0x300, s18;
	v30 =	vld.idx.msk [tilespmem:v29+s12+$0x0], $0xffff;
	[tilespmem:s28+$0x14800] =	vst v27;
	s28 =	sor.u32 $0x380, s19  }
0xfc: {  	s4 =	sadd.s32 $0x40, s4;
	v11 =	vadd.s32 $0x4200, v12;
	v20 =	vadd.s32 $0x4280, v13;
	v29 =	vadd.s32 $0x4300, v1;
	v27 =	vld.idx.msk [tilespmem:v32+s12+$0x0], $0xffff;
	[tilespmem:s29+$0x14800] =	vst v31;
	s29 =	sor.u32 $0x380, s18  }
0xfd: {  	_ =	sdelay $0x2  }
0xfe: {  	v31 =	vadd.s32 $0x4080, v9;
	s4 =	sadd.s32 $0x200, s26  }
0xff: {  	v28 =	vld.idx.msk [tilespmem:v28+s12+$0x0], $0xffff;
	s10 =	sand.u32 $0x3C00, s4  }
0x100: {  	v26 =	vld.idx.msk [tilespmem:v26+s12+$0x0], $0xffff;
	s10 =	sadd.s32 $0x14800, s10  }
0x101: {  	s7 =	sor.u32 s7, s10  }
0x102: {  	s18 =	sor.u32 s21, s10;
	s13 =	sor.u32 s13, s10;
	s10 =	sor.u32 s31, s10;
	[tilespmem:s7+$0x0] =	vst v30  }
0x103: {  	[tilespmem:s10+$0x0] =	vst v17;
	v30 =	vld.idx.msk [tilespmem:v31+s12+$0x0], $0xffff  }
0x104: {  	[tilespmem:s18+$0x0] =	vst v28;
	v19 =	vld.idx.msk [tilespmem:v19+s12+$0x0], $0xffff  }
0x105: {  	v61 =	vadd.s32 $0x4100, v9;
	[tilespmem:s13+$0x0] =	vst v26;
	v21 =	vld.idx.msk [tilespmem:v21+s12+$0x0], $0xffff  }
0x106: {  	[tilespmem:s17+$0x14800] =	vst v23;
	v17 =	vld.idx.msk [tilespmem:v22+s12+$0x0], $0xffff;
	v22 =	vadd.s32 $0x4100, v2  }
0x107: {  	[tilespmem:s16+$0x14800] =	vst v24  }
0x108: {  	[tilespmem:s7+$0x80] =	vst v30  }
0x109: {  	v8 =	vld.idx.msk [tilespmem:v8+s12+$0x0], $0xffff;
	[tilespmem:s10+$0x80] =	vst v19  }
0x10a: {  	v23 =	vld.idx.msk [tilespmem:v61+s12+$0x0], $0xffff;
	[tilespmem:s18+$0x80] =	vst v21  }
0x10b: {  	s26 =	sor.u32 $0x280, s2;
	v21 =	vadd.s32 $0x4180, v9;
	[tilespmem:s13+$0x80] =	vst v17;
	v17 =	vld.idx.msk [tilespmem:v22+s12+$0x0], $0xffff  }
0x10c: {  	[tilespmem:s26+$0x14800] =	vst v25;
	v19 =	vadd.s32 $0x4180, v2;
	v18 =	vld.idx.msk [tilespmem:v18+s12+$0x0], $0xffff  }
0x10d: {  	v7 =	vld.idx.msk [tilespmem:v7+s12+$0x0], $0xffff;
	[tilespmem:s14+$0x14800] =	vst v27  }
0x10e: {  	[tilespmem:s8+$0x14800] =	vst v8;
	v16 =	vld.idx.msk [tilespmem:v16+s12+$0x0], $0xffff  }
0x10f: {  	v22 =	vld.idx.msk [tilespmem:v29+s12+$0x0], $0xffff;
	[tilespmem:s7+$0x100] =	vst v23  }
0x110: {  	[tilespmem:s10+$0x100] =	vst v17;
	v21 =	vld.idx.msk [tilespmem:v21+s12+$0x0], $0xffff  }
0x111: {  	v1 =	vadd.s32 $0x4380, v1;
	[tilespmem:s18+$0x100] =	vst v18;
	v8 =	vld.idx.msk [tilespmem:v19+s12+$0x0], $0xffff  }
0x112: {  	[tilespmem:s9+$0x14800] =	vst v7;
	v18 =	vadd.s32 $0x4200, v9;
	v15 =	vld.idx.msk [tilespmem:v15+s12+$0x0], $0xffff  }
0x113: {  	s30 =	sor.u32 $0x300, s2;
	v6 =	vld.idx.msk [tilespmem:v6+s12+$0x0], $0xffff;
	[tilespmem:s13+$0x100] =	vst v16;
	v16 =	vadd.s32 $0x4200, v2  }
0x114: {  	[tilespmem:s30+$0x14800] =	vst v22;
	v14 =	vld.idx.msk [tilespmem:v14+s12+$0x0], $0xffff  }
0x115: {  	v5 =	vld.idx.msk [tilespmem:v5+s12+$0x0], $0xffff;
	[tilespmem:s7+$0x180] =	vst v21  }
0x116: {  	p0 =	por !p0, !p0;
	v1 =	vld.idx.msk [tilespmem:v1+s12+$0x0], $0xffff;
	s7 =	simm.s32 $0x1;
	[tilespmem:s10+$0x180] =	vst v8  }
0x117: {  	[tilespmem:s18+$0x180] =	vst v15;
	v15 =	vld.idx.msk [tilespmem:v18+s12+$0x0], $0xffff;
	s7 =	simm.s32 @!p0 $0x0  }
0x118: {  	[tilespmem:s6+$0x14800] =	vst v6;
	v17 =	vadd.s32 $0x4280, v9;
	v7 =	vld.idx.msk [tilespmem:v16+s12+$0x0], $0xffff;
	s7 =	sshll.u32 s7, $0x6  }
0x119: {  	v6 =	vadd.s32 $0x4280, v2;
	[tilespmem:s13+$0x180] =	vst v14;
	v10 =	vld.idx.msk [tilespmem:v10+s12+$0x0], $0xffff;
	s4 =	sadd.s32 s7, s4  }
0x11a: {  	s19 =	sor.u32 $0x380, s2;
	[tilespmem:s1+$0x14800] =	vst v5;
	v8 =	vld.idx.msk [tilespmem:v11+s12+$0x0], $0xffff;
	s7 =	sadd.s32 $0x30, s4  }
0x11b: {  	[tilespmem:s19+$0x14800] =	vst v1;
	v11 =	vadd.s32 $0x4280, v12;
	s14 =	sor.u32 $0x200, s7  }
0x11c: {  	s6 =	sadd.s32 $0x10, s4;
	s18 =	sor.u32 $0x200, s4;
	[tilespmem:s14+$0x14800] =	vst v15  }
0x11d: {  	v14 =	vadd.s32 $0x4300, v0;
	s9 =	sadd.s32 $0x20, s4;
	s16 =	sor.u32 $0x200, s6;
	[tilespmem:s18+$0x14800] =	vst v7;
	v15 =	vld.idx.msk [tilespmem:v17+s12+$0x0], $0xffff  }
0x11e: {  	s17 =	sor.u32 $0x200, s9;
	[tilespmem:s16+$0x14800] =	vst v10;
	v10 =	vadd.s32 $0x4300, v9;
	v1 =	vld.idx.msk [tilespmem:v6+s12+$0x0], $0xffff  }
0x11f: {  	v5 =	vadd.s32 $0x4300, v2;
	[tilespmem:s17+$0x14800] =	vst v8;
	v8 =	vld.idx.msk [tilespmem:v20+s12+$0x0], $0xffff  }
0x120: {  	v16 =	vadd.s32 $0x4300, v13;
	v7 =	vld.idx.msk [tilespmem:v11+s12+$0x0], $0xffff  }
0x121: {  	v4 =	vld.idx.msk [tilespmem:v4+s12+$0x0], $0xffff;
	s20 =	sor.u32 $0x280, s7;
	v11 =	vadd.s32 $0x4300, v12  }
0x122: {  	s30 =	sor.u32 $0x280, s4;
	v6 =	vld.idx.msk [tilespmem:v14+s12+$0x0], $0xffff;
	[tilespmem:s20+$0x14800] =	vst v15  }
0x123: {  	v0 =	vadd.s32 $0x4380, v0;
	s21 =	sor.u32 $0x280, s6;
	[tilespmem:s30+$0x14800] =	vst v1;
	v10 =	vld.idx.msk [tilespmem:v10+s12+$0x0], $0xffff  }
0x124: {  	s26 =	sor.u32 $0x280, s9;
	[tilespmem:s21+$0x14800] =	vst v8;
	v8 =	vadd.s32 $0x4380, v9;
	v5 =	vld.idx.msk [tilespmem:v5+s12+$0x0], $0xffff  }
0x125: {  	v2 =	vadd.s32 $0x4380, v2;
	[tilespmem:s26+$0x14800] =	vst v7;
	v9 =	vld.idx.msk [tilespmem:v16+s12+$0x0], $0xffff  }
0x126: {  	[tilespmem:s0+$0x14800] =	vst v4;
	v7 =	vadd.s32 $0x4380, v13;
	v1 =	vld.idx.msk [tilespmem:v11+s12+$0x0], $0xffff  }
0x127: {  	v3 =	vld.idx.msk [tilespmem:v3+s12+$0x0], $0xffff;
	s8 =	sor.u32 $0x300, s7;
	[tilespmem:s3+$0x14800] =	vst v6;
	v11 =	vadd.s32 $0x4380, v12  }
0x128: {  	s14 =	sor.u32 $0x300, s4;
	v0 =	vld.idx.msk [tilespmem:v0+s12+$0x0], $0xffff;
	[tilespmem:s8+$0x14800] =	vst v10  }
0x129: {  	s10 =	sor.u32 $0x300, s6;
	[tilespmem:s14+$0x14800] =	vst v5;
	v4 =	vld.idx.msk [tilespmem:v8+s12+$0x0], $0xffff  }
0x12a: {  	s13 =	sor.u32 $0x300, s9;
	[tilespmem:s10+$0x14800] =	vst v9;
	v2 =	vld.idx.msk [tilespmem:v2+s12+$0x0], $0xffff  }
0x12b: {  	[tilespmem:s13+$0x14800] =	vst v1;
	v6 =	vld.idx.msk [tilespmem:v7+s12+$0x0], $0xffff  }
0x12c: {  	[tilespmem:s28+$0x14800] =	vst v3;
	v1 =	vld.idx.msk [tilespmem:v11+s12+$0x0], $0xffff  }
0x12d: {  	s16 =	sor.u32 $0x380, s7;
	[tilespmem:s29+$0x14800] =	vst v0  }
0x12e: {  	s19 =	sor.u32 $0x380, s4;
	[tilespmem:s16+$0x14800] =	vst v4  }
0x12f: {  	s17 =	sor.u32 $0x380, s6;
	[tilespmem:s19+$0x14800] =	vst v2  }
0x130: {  	s31 =	simm.s32 $0x14800;
	s18 =	sor.u32 $0x380, s9;
	[tilespmem:s17+$0x14800] =	vst v6  }
0x131: {  	p0 =	seq.s32 s22, $0x7;
	s20 =	sadd.s32 s11, s25;
	s21 =	simm.s32 $0x2;
	[tilespmem:s18+$0x14800] =	vst v1  }
0x132: {  	[hbm4b:s20+s5] =	stream.linear.scatter [tilespmem:s31], [sflag:$0x4], $0x4000, $0x38;
	[tilespmem:$0x18800] =	vst v63  }
0x133: {  	s1 =	simm.s32 @!p0 $0x0;
	s2 =	simm.s32 @!p0 $0x800;
	_ =	swait.ge [sflag:s21], $0x8000  }
0x134: {  	s26 =	simm.s32 $0x3;
	[sflag:s21] =	ssyncset.done $0x0;
	s0 =	rddreg [dreg:$0x7]  }
0x135: {  	[sflag:s21] =	ssyncadd.s32 $0xFFFF8000;
	s0 =	sadd.s32 @!p0 s25, s0;
	s25 =	simm.s32 $0x0  }
0x136: {  	[tilespmem:s2], [sflag:$0x1] =	stream.linear.gather @!p0 [hbm4b:s0+s1], $0x8000, $0x38;
	[tilespmem:$0x18800] =	vst v63  }
0x137: {  	s30 =	sand.u32 $0x40, s25;
	_ =	swait.ge [sflag:s26], $0x4000  }
0x138: {  	s3 =	sand.u32 $0x780, s25;
	s6 =	sor.u32 $0x30, s30;
	[sflag:s26] =	ssyncset.done $0x0  }
0x139: {  	s8 =	sor.u32 s6, s3;
	[sflag:s26] =	ssyncadd.s32 $0xFFFFC000  }
0x13a: {  	v0 =	vld [tilespmem:s8+$0x0]  }
0x13b: {  	s9 =	sor.u32 $0x10, s30;
	v1 =	vld [tilespmem:s25+$0x0]  }
0x13c: {  	s10 =	sor.u32 $0x20, s30;
	s13 =	sor.u32 s9, s3  }
0x13d: {  	s2 =	sor.u32 s10, s3;
	v2 =	vld [tilespmem:s13+$0x0]  }
0x13e: {  	v3 =	vld [tilespmem:s2+$0x0]  }
0x13f: {  	v4 =	vshll.u32 v0, $0x3  }
0x140: {  	v5 =	vshll.u32 v1, $0x3;
	v0 =	vand.u32 $0x7F, v0;
	v4 =	vand.u32 $0xFFFFFC00, v4  }
0x141: {  	v1 =	vand.u32 $0x7F, v1;
	v6 =	vand.u32 $0xFFFFFC00, v5;
	v5 =	vor.u32 v0, v4  }
0x142: {  	v0 =	vor.u32 v1, v6;
	v1 =	vshll.u32 v2, $0x3  }
0x143: {  	v4 =	vshll.u32 v3, $0x3;
	v2 =	vand.u32 $0x7F, v2;
	v1 =	vand.u32 $0xFFFFFC00, v1  }
0x144: {  	v6 =	vand.u32 $0xFFFFFC00, v4;
	v4 =	vor.u32 v2, v1;
	v1 =	vand.u32 $0x7F, v3  }
0x145: {  	v3 =	vor.u32 v1, v6  }
0x146: {  	v1 =	vld.idx.msk [tilespmem:v5+s15+$0x0], $0xffff  }
0x147: {  	v6 =	vor.u32 $0x80, v5;
	v2 =	vld.idx.msk [tilespmem:v0+s15+$0x0], $0xffff  }
0x148: {  	s0 =	sand.u32 $0x3C00, s25;
	v7 =	vor.u32 $0x80, v0  }
0x149: {  	s0 =	sadd.s32 $0x10800, s0;
	v8 =	vld.idx.msk [tilespmem:v4+s15+$0x0], $0xffff  }
0x14a: {  	s14 =	sor.u32 s6, s0;
	v9 =	vor.u32 $0x80, v4;
	v10 =	vld.idx.msk [tilespmem:v3+s15+$0x0], $0xffff  }
0x14b: {  	s16 =	sor.u32 s30, s0;
	v11 =	vor.u32 $0x80, v3;
	[tilespmem:s14+$0x0] =	vst v1  }
0x14c: {  	[tilespmem:s16+$0x0] =	vst v2;
	v1 =	vld.idx.msk [tilespmem:v6+s15+$0x0], $0xffff  }
0x14d: {  	s30 =	sor.u32 s9, s0;
	v2 =	vld.idx.msk [tilespmem:v7+s15+$0x0], $0xffff;
	v6 =	vor.u32 $0x100, v5  }
0x14e: {  	s0 =	sor.u32 s10, s0;
	v7 =	vor.u32 $0x100, v0;
	[tilespmem:s30+$0x0] =	vst v8  }
0x14f: {  	v8 =	vld.idx.msk [tilespmem:v9+s15+$0x0], $0xffff;
	[tilespmem:s0+$0x0] =	vst v10  }
0x150: {  	v9 =	vor.u32 $0x100, v4;
	v10 =	vld.idx.msk [tilespmem:v11+s15+$0x0], $0xffff  }
0x151: {  	v11 =	vor.u32 $0x100, v3;
	[tilespmem:s14+$0x80] =	vst v1  }
0x152: {  	[tilespmem:s16+$0x80] =	vst v2;
	v1 =	vld.idx.msk [tilespmem:v6+s15+$0x0], $0xffff  }
0x153: {  	v2 =	vld.idx.msk [tilespmem:v7+s15+$0x0], $0xffff;
	v6 =	vor.u32 $0x180, v5  }
0x154: {  	v7 =	vor.u32 $0x180, v0;
	[tilespmem:s30+$0x80] =	vst v8  }
0x155: {  	v8 =	vld.idx.msk [tilespmem:v9+s15+$0x0], $0xffff;
	[tilespmem:s0+$0x80] =	vst v10  }
0x156: {  	s25 =	simm.s32 $0x40;
	v9 =	vor.u32 $0x180, v4;
	v10 =	vld.idx.msk [tilespmem:v11+s15+$0x0], $0xffff  }
0x157: {  	s1 =	sand.u32 $0x40, s25;
	v11 =	vld [tilespmem:s25+$0x0];
	[tilespmem:s14+$0x100] =	vst v1  }
0x158: {  	s17 =	sand.u32 $0x780, s25;
	s18 =	sor.u32 $0x30, s1;
	[tilespmem:s16+$0x100] =	vst v2;
	v1 =	vld.idx.msk [tilespmem:v6+s15+$0x0], $0xffff  }
0x159: {  	s19 =	sor.u32 s18, s17;
	v2 =	vor.u32 $0x180, v3;
	v6 =	vld.idx.msk [tilespmem:v7+s15+$0x0], $0xffff  }
0x15a: {  	s20 =	sor.u32 $0x10, s1;
	v7 =	vor.u32 $0x200, v5;
	[tilespmem:s30+$0x100] =	vst v8;
	v8 =	vld [tilespmem:s19+$0x0]  }
0x15b: {  	s21 =	sor.u32 $0x20, s1;
	s26 =	sor.u32 s20, s17;
	v9 =	vld.idx.msk [tilespmem:v9+s15+$0x0], $0xffff  }
0x15c: {  	s9 =	sor.u32 s21, s17;
	v13 =	vld [tilespmem:s26+$0x0];
	v12 =	vor.u32 $0x200, v4;
	v14 =	vshll.u32 v11, $0x3  }
0x15d: {  	v15 =	vld [tilespmem:s9+$0x0];
	[tilespmem:s0+$0x100] =	vst v10;
	v10 =	vor.u32 $0x200, v0;
	v11 =	vand.u32 $0x7F, v11;
	v14 =	vand.u32 $0xFFFFFC00, v14  }
0x15e: {  	s7 =	simm.s32 $0x1;
	p0 =	por $0x0, $0x0;
	v16 =	vld.idx.msk [tilespmem:v2+s15+$0x0], $0xffff;
	[tilespmem:s14+$0x180] =	vst v1;
	v1 =	vor.u32 v11, v14  }
0x15f: {  	s7 =	simm.s32 @!p0 $0x0;
	v11 =	vor.u32 $0x200, v3;
	v7 =	vld.idx.msk [tilespmem:v7+s15+$0x0], $0xffff;
	v2 =	vshll.u32 v8, $0x3  }
0x160: {  	s7 =	sshll.u32 s7, $0x6;
	v8 =	vand.u32 $0x7F, v8;
	[tilespmem:s30+$0x180] =	vst v9;
	v2 =	vand.u32 $0xFFFFFC00, v2;
	v9 =	vor.u32 $0x280, v5  }
0x161: {  	s2 =	sadd.s32 $0x0, s7;
	v14 =	vor.u32 $0x280, v4;
	[tilespmem:s16+$0x180] =	vst v6;
	v6 =	vld.idx.msk [tilespmem:v12+s15+$0x0], $0xffff;
	v12 =	vshll.u32 v13, $0x3;
	v2 =	vor.u32 v8, v2  }
0x162: {  	s8 =	sadd.s32 $0x30, s2;
	v8 =	vld.idx.msk [tilespmem:v10+s15+$0x0], $0xffff;
	v10 =	vshll.u32 v15, $0x3;
	v13 =	vand.u32 $0x7F, v13;
	v12 =	vand.u32 $0xFFFFFC00, v12  }
0x163: {  	s30 =	sor.u32 $0x200, s8;
	v10 =	vand.u32 $0xFFFFFC00, v10;
	[tilespmem:s0+$0x180] =	vst v16;
	v17 =	vld.idx.msk [tilespmem:v1+s15+$0x0], $0xffff;
	v21 =	vor.u32 v13, v12;
	v12 =	vand.u32 $0x7F, v15  }
0x164: {  	s3 =	sadd.s32 $0x10, s2;
	v11 =	vld.idx.msk [tilespmem:v11+s15+$0x0], $0xffff;
	v10 =	vor.u32 v12, v10;
	[tilespmem:s30+$0x10800] =	vst v7  }
0x165: {  	s9 =	sor.u32 $0x200, s3;
	v7 =	vor.u32 $0x280, v0;
	v9 =	vld.idx.msk [tilespmem:v9+s15+$0x0], $0xffff  }
0x166: {  	s10 =	sor.u32 $0x200, s2;
	s26 =	simm.s32 $0x200;
	v12 =	vor.u32 $0x280, v3;
	v13 =	vld.idx.msk [tilespmem:v2+s15+$0x0], $0xffff;
	[tilespmem:s9+$0x10800] =	vst v6  }
0x167: {  	s14 =	sand.u32 $0x3C00, s26;
	s9 =	sadd.s32 $0x20, s2;
	[tilespmem:s10+$0x10800] =	vst v8;
	v8 =	vor.u32 $0x80, v1;
	v6 =	vld.idx.msk [tilespmem:v14+s15+$0x0], $0xffff  }
0x168: {  	s16 =	sadd.s32 $0x10800, s14;
	v14 =	vor.u32 $0x300, v5;
	s13 =	sor.u32 $0x200, s9;
	v15 =	vld.idx.msk [tilespmem:v21+s15+$0x0], $0xffff  }
0x169: {  	s7 =	sor.u32 s1, s16;
	v16 =	vor.u32 $0x80, v2;
	[tilespmem:s13+$0x10800] =	vst v11;
	v18 =	vld.idx.msk [tilespmem:v10+s15+$0x0], $0xffff  }
0x16a: {  	s17 =	sor.u32 $0x280, s8;
	v19 =	vor.u32 $0x80, v21;
	[tilespmem:s7+$0x0] =	vst v17;
	v7 =	vld.idx.msk [tilespmem:v7+s15+$0x0], $0xffff  }
0x16b: {  	s6 =	sor.u32 s18, s16;
	v11 =	vor.u32 $0x80, v10;
	v12 =	vld.idx.msk [tilespmem:v12+s15+$0x0], $0xffff;
	[tilespmem:s17+$0x10800] =	vst v9  }
0x16c: {  	s18 =	sor.u32 $0x280, s3;
	v9 =	vor.u32 $0x300, v4;
	[tilespmem:s6+$0x0] =	vst v13;
	v8 =	vld.idx.msk [tilespmem:v8+s15+$0x0], $0xffff  }
0x16d: {  	s13 =	sor.u32 s20, s16;
	v13 =	vld.idx.msk [tilespmem:v14+s15+$0x0], $0xffff;
	v14 =	vor.u32 $0x300, v3;
	[tilespmem:s18+$0x10800] =	vst v6  }
0x16e: {  	s1 =	sor.u32 s21, s16;
	v5 =	vor.u32 $0x380, v5;
	v16 =	vld.idx.msk [tilespmem:v16+s15+$0x0], $0xffff;
	[tilespmem:s13+$0x0] =	vst v15  }
0x16f: {  	s19 =	sor.u32 $0x280, s9;
	v17 =	vor.u32 $0x100, v2;
	v15 =	vld.idx.msk [tilespmem:v19+s15+$0x0], $0xffff;
	[tilespmem:s1+$0x0] =	vst v18  }
0x170: {  	v18 =	vor.u32 $0x100, v1;
	[tilespmem:s19+$0x10800] =	vst v12;
	v20 =	vld.idx.msk [tilespmem:v11+s15+$0x0], $0xffff  }
0x171: {  	s20 =	sor.u32 $0x300, s8;
	v6 =	vor.u32 $0x100, v21;
	v22 =	vld.idx.msk [tilespmem:v9+s15+$0x0], $0xffff;
	[tilespmem:s7+$0x80] =	vst v8  }
0x172: {  	v23 =	vor.u32 $0x100, v10;
	v14 =	vld.idx.msk [tilespmem:v14+s15+$0x0], $0xffff;
	[tilespmem:s20+$0x10800] =	vst v13  }
0x173: {  	[tilespmem:s6+$0x80] =	vst v16;
	v16 =	vor.u32 $0x300, v0;
	v62 =	vld.idx.msk [tilespmem:v5+s15+$0x0], $0xffff  }
0x174: {  	v63 =	vor.u32 $0x380, v4;
	v19 =	vld.idx.msk [tilespmem:v17+s15+$0x0], $0xffff;
	[tilespmem:s13+$0x80] =	vst v15  }
0x175: {  	s30 =	sor.u32 $0x300, s3;
	v4 =	vor.u32 $0x380, v21;
	v17 =	vld.idx.msk [tilespmem:v18+s15+$0x0], $0xffff;
	[tilespmem:s1+$0x80] =	vst v20  }
0x176: {  	s21 =	sor.u32 $0x280, s2;
	v11 =	vor.u32 $0x200, v21;
	v8 =	vor.u32 $0x280, v21;
	v18 =	vld.idx.msk [tilespmem:v6+s15+$0x0], $0xffff;
	[tilespmem:s30+$0x10800] =	vst v22;
	v22 =	vor.u32 $0x180, v2  }
0x177: {  	s4 =	sor.u32 $0x300, s2;
	s28 =	sor.u32 $0x380, s2;
	[tilespmem:s21+$0x10800] =	vst v7;
	v13 =	vor.u32 $0x180, v21;
	v6 =	vor.u32 $0x300, v21;
	v21 =	vor.u32 $0x180, v1;
	v20 =	vld.idx.msk [tilespmem:v23+s15+$0x0], $0xffff  }
0x178: {  	s0 =	simm.s32 $0x4;
	s3 =	sor.u32 $0x380, s3;
	s8 =	sor.u32 $0x380, s8;
	v3 =	vor.u32 $0x380, v3;
	v12 =	vor.u32 $0x180, v10;
	v7 =	vor.u32 $0x280, v10;
	v15 =	vld.idx.msk [tilespmem:v16+s15+$0x0], $0xffff  }
0x179: {  	s2 =	simm.s32 $0x80;
	s10 =	sor.u32 $0x300, s9;
	s29 =	sor.u32 $0x380, s9;
	v9 =	vor.u32 $0x200, v10;
	v5 =	vor.u32 $0x300, v10;
	v10 =	vor.u32 $0x380, v10;
	v16 =	vld.idx.msk [tilespmem:v63+s15+$0x0], $0xffff;
	[tilespmem:s8+$0x10800] =	vst v62  }
.LBB2_7:
0x17a: {  	v23 =	vld [tilespmem:s2+$0x0];
	[tilespmem:s6+$0x100] =	vst v19;
	s25 =	sadd.s32 $0x40, s25  }
0x17b: {  	s0 =	sadd.s32 $0x4, s0;
	s8 =	sand.u32 $0x40, s25;
	[tilespmem:s7+$0x100] =	vst v17;
	v17 =	vld.idx.msk [tilespmem:v22+s15+$0x0], $0xffff  }
0x17c: {  	s14 =	sand.u32 $0x780, s25;
	p1 =	slt.u32 s0, $0x7C;
	s9 =	sor.u32 $0x30, s8;
	v19 =	vld.idx.msk [tilespmem:v21+s15+$0x0], $0xffff;
	[tilespmem:s13+$0x100] =	vst v18  }
0x17d: {  	s17 =	sor.u32 $0x10, s8;
	s16 =	sor.u32 $0x20, s8;
	v18 =	vor.u32 $0x200, v2;
	s18 =	sor.u32 s9, s14;
	v13 =	vld.idx.msk [tilespmem:v13+s15+$0x0], $0xffff;
	[tilespmem:s1+$0x100] =	vst v20  }
0x17e: {  	v21 =	vor.u32 $0x200, v1;
	s19 =	sor.u32 s17, s14;
	s14 =	sor.u32 s16, s14;
	v20 =	vld [tilespmem:s18+$0x0];
	[tilespmem:s10+$0x10800] =	vst v14  }
0x17f: {  	v14 =	vld [tilespmem:s19+$0x0];
	[tilespmem:s4+$0x10800] =	vst v15  }
0x180: {  	v15 =	vshll.u32 v23, $0x3;
	v22 =	vld [tilespmem:s14+$0x0];
	[tilespmem:s3+$0x10800] =	vst v16  }
0x181: {  	v16 =	vand.u32 $0x7F, v23;
	v15 =	vand.u32 $0xFFFFFC00, v15;
	v12 =	vld.idx.msk [tilespmem:v12+s15+$0x0], $0xffff;
	[tilespmem:s6+$0x180] =	vst v17;
	v17 =	vor.u32 $0x380, v0;
	v0 =	vmovc v1  }
0x182: {  	p0 =	por !p0, !p0;
	s3 =	simm.s32 $0x1;
	v1 =	vor.u32 v16, v15;
	[tilespmem:s7+$0x180] =	vst v19;
	v15 =	vld.idx.msk [tilespmem:v18+s15+$0x0], $0xffff  }
0x183: {  	s3 =	simm.s32 @!p0 $0x0;
	v16 =	vshll.u32 v20, $0x3;
	v18 =	vld.idx.msk [tilespmem:v21+s15+$0x0], $0xffff;
	[tilespmem:s13+$0x180] =	vst v13  }
0x184: {  	s3 =	sshll.u32 s3, $0x6;
	v13 =	vand.u32 $0x7F, v20;
	v16 =	vand.u32 $0xFFFFFC00, v16;
	v19 =	vld.idx.msk [tilespmem:v11+s15+$0x0], $0xffff;
	v11 =	vor.u32 $0x280, v2  }
0x185: {  	s6 =	sadd.s32 s3, s26;
	v20 =	vshll.u32 v14, $0x3;
	v21 =	vshll.u32 v22, $0x3;
	v16 =	vor.u32 v13, v16;
	v23 =	vld.idx.msk [tilespmem:v3+s15+$0x0], $0xffff;
	v3 =	vmovc v10  }
0x186: {  	s3 =	sadd.s32 $0x10, s6;
	s7 =	sadd.s32 $0x20, s6;
	s21 =	sadd.s32 $0x30, s6;
	v10 =	vand.u32 $0x7F, v14;
	v13 =	vand.u32 $0xFFFFFC00, v20;
	v14 =	vand.u32 $0xFFFFFC00, v21;
	v17 =	vld.idx.msk [tilespmem:v17+s15+$0x0], $0xffff  }
0x187: {  	s13 =	sor.u32 $0x200, s3;
	s4 =	sor.u32 $0x200, s21;
	v10 =	vor.u32 v10, v13;
	v13 =	vand.u32 $0x7F, v22;
	v21 =	vor.u32 $0x280, v0;
	v20 =	vld.idx.msk [tilespmem:v1+s15+$0x0], $0xffff;
	[tilespmem:s1+$0x180] =	vst v12;
	s1 =	sor.u32 $0x200, s7  }
0x188: {  	s10 =	sor.u32 $0x200, s6;
	s30 =	sor.u32 $0x280, s3;
	s19 =	sor.u32 $0x280, s7;
	v22 =	vor.u32 $0x80, v10;
	v24 =	vor.u32 $0x100, v10;
	v14 =	vor.u32 v13, v14;
	v25 =	vld.idx.msk [tilespmem:v9+s15+$0x0], $0xffff;
	[tilespmem:s4+$0x10800] =	vst v15  }
0x189: {  	s18 =	sor.u32 $0x280, s6;
	s14 =	sor.u32 $0x300, s3;
	v13 =	vor.u32 $0x180, v10;
	v15 =	vor.u32 $0x80, v14;
	v26 =	vor.u32 $0x100, v14;
	[tilespmem:s10+$0x10800] =	vst v18;
	s10 =	sor.u32 $0x300, s7;
	v18 =	vld.idx.msk [tilespmem:v11+s15+$0x0], $0xffff  }
0x18a: {  	s3 =	sor.u32 $0x380, s3;
	v12 =	vor.u32 $0x180, v14;
	v9 =	vor.u32 $0x200, v14;
	s4 =	sor.u32 $0x300, s6;
	v11 =	vor.u32 $0x200, v10;
	s7 =	sor.u32 $0x380, s7;
	v27 =	vld.idx.msk [tilespmem:v16+s15+$0x0], $0xffff;
	[tilespmem:s13+$0x10800] =	vst v19  }
0x18b: {  	v29 =	vor.u32 $0x300, v2;
	s6 =	sor.u32 $0x380, s6;
	v19 =	vor.u32 $0x280, v14;
	v28 =	vld.idx.msk [tilespmem:v8+s15+$0x0], $0xffff;
	v8 =	vor.u32 $0x280, v10;
	[tilespmem:s29+$0x10800] =	vst v23;
	s29 =	smov.u32 s7  }
0x18c: {  	s26 =	sadd.s32 $0x200, s26;
	v32 =	vor.u32 $0x80, v16;
	v30 =	vor.u32 $0x300, v10;
	v31 =	vor.u32 $0x300, v14;
	v23 =	vld.idx.msk [tilespmem:v10+s15+$0x0], $0xffff;
	[tilespmem:s28+$0x10800] =	vst v17;
	s28 =	smov.u32 s6  }
0x18d: {  	v33 =	vor.u32 $0x380, v10;
	s6 =	sand.u32 $0x3C00, s26;
	v17 =	vor.u32 $0x80, v1;
	v10 =	vor.u32 $0x380, v14;
	v34 =	vld.idx.msk [tilespmem:v14+s15+$0x0], $0xffff  }
0x18e: {  	s20 =	sadd.s32 $0x10800, s6;
	v35 =	vld.idx.msk [tilespmem:v21+s15+$0x0], $0xffff;
	[tilespmem:s1+$0x10800] =	vst v25;
	s1 =	sor.u32 $0x280, s21  }
0x18f: {  	s7 =	sor.u32 s8, s20;
	s13 =	sor.u32 s17, s20;
	s6 =	sor.u32 s9, s20;
	v14 =	vld.idx.msk [tilespmem:v7+s15+$0x0], $0xffff;
	[tilespmem:s1+$0x10800] =	vst v18;
	v7 =	vmov v19  }
0x190: {  	s1 =	sor.u32 s16, s20;
	[tilespmem:s6+$0x0] =	vst v27;
	v18 =	vld.idx.msk [tilespmem:v29+s15+$0x0], $0xffff  }
0x191: {  	[tilespmem:s7+$0x0] =	vst v20;
	v19 =	vld.idx.msk [tilespmem:v32+s15+$0x0], $0xffff  }
0x192: {  	v20 =	vor.u32 $0x380, v2;
	v2 =	vmov v16;
	v17 =	vld.idx.msk [tilespmem:v17+s15+$0x0], $0xffff;
	[tilespmem:s13+$0x0] =	vst v23  }
0x193: {  	v21 =	vor.u32 $0x100, v2;
	v16 =	vld.idx.msk [tilespmem:v22+s15+$0x0], $0xffff;
	[tilespmem:s1+$0x0] =	vst v34  }
0x194: {  	v22 =	vor.u32 $0x100, v1;
	v15 =	vld.idx.msk [tilespmem:v15+s15+$0x0], $0xffff;
	[tilespmem:s30+$0x10800] =	vst v28  }
0x195: {  	s8 =	sor.u32 $0x300, s21;
	v23 =	vld.idx.msk [tilespmem:v6+s15+$0x0], $0xffff;
	[tilespmem:s19+$0x10800] =	vst v14;
	v6 =	vmov v30  }
0x196: {  	v14 =	vld.idx.msk [tilespmem:v5+s15+$0x0], $0xffff;
	[tilespmem:s8+$0x10800] =	vst v18;
	v5 =	vmov v31  }
0x197: {  	v25 =	vor.u32 $0x300, v0;
	[tilespmem:s6+$0x80] =	vst v19;
	v27 =	vld.idx.msk [tilespmem:v20+s15+$0x0], $0xffff  }
0x198: {  	[tilespmem:s7+$0x80] =	vst v17;
	v19 =	vld.idx.msk [tilespmem:v21+s15+$0x0], $0xffff  }
.Ltmp2:
0x199: {  	v17 =	vld.idx.msk [tilespmem:v22+s15+$0x0], $0xffff;
	[tilespmem:s13+$0x80] =	vst v16;
	(pc) =	sbr.rel @p1 .LBB2_7-.Ltmp2, $4  }
0x19a: {  	v22 =	vor.u32 $0x180, v2;
	v18 =	vld.idx.msk [tilespmem:v24+s15+$0x0], $0xffff;
	[tilespmem:s1+$0x80] =	vst v15  }
0x19b: {  	v21 =	vor.u32 $0x180, v1;
	v20 =	vld.idx.msk [tilespmem:v26+s15+$0x0], $0xffff;
	[tilespmem:s18+$0x10800] =	vst v35  }
0x19c: {  	s8 =	sor.u32 $0x380, s21;
	v15 =	vld.idx.msk [tilespmem:v25+s15+$0x0], $0xffff;
	[tilespmem:s14+$0x10800] =	vst v23  }
0x19d: {  	s2 =	sadd.s32 $0x40, s2;
	v16 =	vld.idx.msk [tilespmem:v4+s15+$0x0], $0xffff;
	[tilespmem:s8+$0x10800] =	vst v27;
	v4 =	vmov v33  }
0x19e: {  	_ =	sdelay $0x2  }
0x19f: {  	[tilespmem:s6+$0x100] =	vst v19  }
0x1a0: {  	v19 =	vld.idx.msk [tilespmem:v22+s15+$0x0], $0xffff;
	[tilespmem:s13+$0x100] =	vst v18  }
0x1a1: {  	[tilespmem:s7+$0x100] =	vst v17;
	v18 =	vor.u32 $0x200, v2;
	v13 =	vld.idx.msk [tilespmem:v13+s15+$0x0], $0xffff  }
0x1a2: {  	v17 =	vld.idx.msk [tilespmem:v21+s15+$0x0], $0xffff;
	[tilespmem:s1+$0x100] =	vst v20  }
0x1a3: {  	v20 =	vor.u32 $0x200, v1;
	v12 =	vld.idx.msk [tilespmem:v12+s15+$0x0], $0xffff;
	_ =	sdelay $0x1  }
0x1a4: {  	p0 =	por !p0, !p0;
	s0 =	simm.s32 $0x1;
	[tilespmem:s6+$0x180] =	vst v19  }
0x1a5: {  	s0 =	simm.s32 @!p0 $0x0;
	v18 =	vld.idx.msk [tilespmem:v18+s15+$0x0], $0xffff;
	[tilespmem:s13+$0x180] =	vst v13  }
0x1a6: {  	s0 =	sshll.u32 s0, $0x6;
	[tilespmem:s7+$0x180] =	vst v17;
	v13 =	vor.u32 $0x280, v2;
	v11 =	vld.idx.msk [tilespmem:v11+s15+$0x0], $0xffff  }
0x1a7: {  	s0 =	sadd.s32 s0, s26;
	[tilespmem:s1+$0x180] =	vst v12;
	v12 =	vld.idx.msk [tilespmem:v20+s15+$0x0], $0xffff  }
0x1a8: {  	s14 =	sadd.s32 $0x30, s0;
	v17 =	vor.u32 $0x280, v1;
	v9 =	vld.idx.msk [tilespmem:v9+s15+$0x0], $0xffff  }
0x1a9: {  	s2 =	sadd.s32 $0x10, s0;
	s16 =	sor.u32 $0x200, s14  }
0x1aa: {  	s8 =	sor.u32 $0x200, s2;
	[tilespmem:s16+$0x10800] =	vst v18  }
0x1ab: {  	s17 =	sadd.s32 $0x20, s0;
	s19 =	sor.u32 $0x200, s0;
	v13 =	vld.idx.msk [tilespmem:v13+s15+$0x0], $0xffff;
	[tilespmem:s8+$0x10800] =	vst v11  }
0x1ac: {  	s18 =	sor.u32 $0x200, s17;
	v11 =	vor.u32 $0x300, v2;
	[tilespmem:s19+$0x10800] =	vst v12;
	v8 =	vld.idx.msk [tilespmem:v8+s15+$0x0], $0xffff  }
0x1ad: {  	[tilespmem:s18+$0x10800] =	vst v9;
	v9 =	vld.idx.msk [tilespmem:v17+s15+$0x0], $0xffff  }
0x1ae: {  	v12 =	vor.u32 $0x300, v1;
	v7 =	vld.idx.msk [tilespmem:v7+s15+$0x0], $0xffff  }
0x1af: {  	[tilespmem:s10+$0x10800] =	vst v14;
	s20 =	sor.u32 $0x280, s14  }
0x1b0: {  	s21 =	sor.u32 $0x280, s2;
	[tilespmem:s20+$0x10800] =	vst v13  }
0x1b1: {  	v0 =	vor.u32 $0x380, v0;
	s26 =	sor.u32 $0x280, s0;
	v11 =	vld.idx.msk [tilespmem:v11+s15+$0x0], $0xffff;
	[tilespmem:s21+$0x10800] =	vst v8  }
0x1b2: {  	s25 =	sor.u32 $0x280, s17;
	v2 =	vor.u32 $0x380, v2;
	[tilespmem:s26+$0x10800] =	vst v9;
	v6 =	vld.idx.msk [tilespmem:v6+s15+$0x0], $0xffff  }
0x1b3: {  	[tilespmem:s25+$0x10800] =	vst v7;
	v7 =	vld.idx.msk [tilespmem:v12+s15+$0x0], $0xffff  }
0x1b4: {  	[tilespmem:s4+$0x10800] =	vst v15;
	v1 =	vor.u32 $0x380, v1;
	v5 =	vld.idx.msk [tilespmem:v5+s15+$0x0], $0xffff  }
0x1b5: {  	v3 =	vld.idx.msk [tilespmem:v3+s15+$0x0], $0xffff;
	[tilespmem:s3+$0x10800] =	vst v16;
	s4 =	sor.u32 $0x300, s14  }
0x1b6: {  	v0 =	vld.idx.msk [tilespmem:v0+s15+$0x0], $0xffff;
	s6 =	sor.u32 $0x300, s2;
	[tilespmem:s4+$0x10800] =	vst v11  }
0x1b7: {  	s9 =	sor.u32 $0x300, s0;
	v2 =	vld.idx.msk [tilespmem:v2+s15+$0x0], $0xffff;
	[tilespmem:s6+$0x10800] =	vst v6  }
0x1b8: {  	s8 =	sor.u32 $0x300, s17;
	[tilespmem:s9+$0x10800] =	vst v7;
	v4 =	vld.idx.msk [tilespmem:v4+s15+$0x0], $0xffff  }
0x1b9: {  	[tilespmem:s8+$0x10800] =	vst v5;
	v1 =	vld.idx.msk [tilespmem:v1+s15+$0x0], $0xffff  }
0x1ba: {  	[tilespmem:s29+$0x10800] =	vst v3;
	v5 =	vld.idx.msk [tilespmem:v10+s15+$0x0], $0xffff  }
0x1bb: {  	s1 =	sor.u32 $0x380, s14;
	[tilespmem:s28+$0x10800] =	vst v0  }
0x1bc: {  	s2 =	sor.u32 $0x380, s2;
	[tilespmem:s1+$0x10800] =	vst v2  }
0x1bd: {  	s0 =	sor.u32 $0x380, s0;
	[tilespmem:s2+$0x10800] =	vst v4  }
0x1be: {  	s10 =	sor.u32 $0x380, s17;
	s13 =	rddreg [dreg:$0x2];
	s14 =	simm.s32 $0x10800;
	[tilespmem:s0+$0x10800] =	vst v1  }
0x1bf: {  	s16 =	simm.s32 $0x4;
	s0 =	sadd.s32 s13, s24;
	s24 =	simm.s32 $0x0;
	[tilespmem:s10+$0x10800] =	vst v5  }
0x1c0: {  	[hbm4b:s0+s24] =	stream.linear.scatter [tilespmem:s14], [sflag:$0x3], $0x4000, $0x38;
	[tilespmem:$0x18800] =	vst v63  }
0x1c1: {  	s17 =	sand.u32 $0x40, s24;
	_ =	swait.ge [sflag:s16], $0x4000  }
0x1c2: {  	s18 =	sand.u32 $0x780, s24;
	s19 =	sor.u32 $0x30, s17;
	[sflag:s16] =	ssyncset.done $0x0  }
0x1c3: {  	s20 =	sor.u32 s19, s18;
	[sflag:s16] =	ssyncadd.s32 $0xFFFFC000  }
0x1c4: {  	v0 =	vld [tilespmem:s20+$0x0]  }
0x1c5: {  	s21 =	sor.u32 $0x10, s17;
	v1 =	vld [tilespmem:s24+$0x0]  }
0x1c6: {  	s26 =	sor.u32 s21, s18  }
0x1c7: {  	s25 =	sor.u32 $0x20, s17;
	v2 =	vld [tilespmem:s26+$0x0]  }
0x1c8: {  	s1 =	sor.u32 s25, s18  }
0x1c9: {  	v3 =	vld [tilespmem:s1+$0x0];
	v4 =	vshll.u32 v0, $0x3  }
0x1ca: {  	v5 =	vshll.u32 v1, $0x3;
	v0 =	vand.u32 $0x7F, v0;
	v4 =	vand.u32 $0xFFFFFC00, v4  }
0x1cb: {  	v6 =	vand.u32 $0x7F, v1;
	v5 =	vand.u32 $0xFFFFFC00, v5;
	v1 =	vor.u32 v0, v4  }
0x1cc: {  	v0 =	vor.u32 v6, v5;
	v6 =	vshll.u32 v2, $0x3;
	v4 =	vadd.s32 $0x4000, v1  }
0x1cd: {  	v2 =	vand.u32 $0x7F, v2;
	v5 =	vadd.s32 $0x4000, v0;
	v6 =	vand.u32 $0xFFFFFC00, v6  }
0x1ce: {  	v7 =	vshll.u32 v3, $0x3;
	v9 =	vor.u32 v2, v6  }
0x1cf: {  	v3 =	vand.u32 $0x7F, v3;
	v7 =	vand.u32 $0xFFFFFC00, v7;
	v2 =	vadd.s32 $0x4000, v9  }
0x1d0: {  	v3 =	vor.u32 v3, v7  }
0x1d1: {  	v6 =	vadd.s32 $0x4000, v3;
	v4 =	vld.idx.msk [tilespmem:v4+s15+$0x0], $0xffff  }
0x1d2: {  	v7 =	vadd.s32 $0x4080, v1;
	v5 =	vld.idx.msk [tilespmem:v5+s15+$0x0], $0xffff  }
0x1d3: {  	s7 =	sand.u32 $0x3C00, s24;
	v8 =	vadd.s32 $0x4080, v0  }
0x1d4: {  	s8 =	sadd.s32 $0x14800, s7;
	v2 =	vld.idx.msk [tilespmem:v2+s15+$0x0], $0xffff  }
0x1d5: {  	s9 =	sor.u32 s19, s8;
	v10 =	vadd.s32 $0x4080, v9  }
0x1d6: {  	s10 =	sor.u32 s17, s8;
	v6 =	vld.idx.msk [tilespmem:v6+s15+$0x0], $0xffff;
	[tilespmem:s9+$0x0] =	vst v4  }
0x1d7: {  	v4 =	vadd.s32 $0x4080, v3;
	[tilespmem:s10+$0x0] =	vst v5;
	v5 =	vld.idx.msk [tilespmem:v7+s15+$0x0], $0xffff  }
0x1d8: {  	s1 =	sor.u32 s21, s8;
	v7 =	vld.idx.msk [tilespmem:v8+s15+$0x0], $0xffff;
	v8 =	vadd.s32 $0x4100, v1  }
0x1d9: {  	v11 =	vadd.s32 $0x4100, v0;
	[tilespmem:s1+$0x0] =	vst v2  }
0x1da: {  	s28 =	simm.s32 $0x40;
	s14 =	sor.u32 s25, s8;
	v2 =	vld.idx.msk [tilespmem:v10+s15+$0x0], $0xffff  }
0x1db: {  	v12 =	vld [tilespmem:s28+$0x0];
	[tilespmem:s14+$0x0] =	vst v6;
	v6 =	vadd.s32 $0x4100, v9  }
0x1dc: {  	s29 =	sand.u32 $0x40, s28;
	v4 =	vld.idx.msk [tilespmem:v4+s15+$0x0], $0xffff;
	[tilespmem:s9+$0x80] =	vst v5  }
0x1dd: {  	s7 =	sor.u32 $0x30, s29;
	s16 =	sand.u32 $0x780, s28;
	v5 =	vadd.s32 $0x4100, v3;
	[tilespmem:s10+$0x80] =	vst v7;
	v7 =	vld.idx.msk [tilespmem:v8+s15+$0x0], $0xffff  }
0x1de: {  	s17 =	sor.u32 s7, s16;
	v10 =	vadd.s32 $0x4180, v1;
	v8 =	vld.idx.msk [tilespmem:v11+s15+$0x0], $0xffff  }
0x1df: {  	s21 =	sor.u32 $0x10, s29;
	v16 =	vld [tilespmem:s17+$0x0];
	v11 =	vadd.s32 $0x4180, v0;
	[tilespmem:s1+$0x80] =	vst v2  }
0x1e0: {  	s18 =	sor.u32 s21, s16;
	v2 =	vld.idx.msk [tilespmem:v6+s15+$0x0], $0xffff  }
0x1e1: {  	v18 =	vld [tilespmem:s18+$0x0];
	v13 =	vadd.s32 $0x4180, v9;
	[tilespmem:s14+$0x80] =	vst v4  }
0x1e2: {  	v15 =	vadd.s32 $0x4180, v3;
	v17 =	vadd.s32 $0x4200, v1;
	v19 =	vadd.s32 $0x4200, v0;
	v5 =	vld.idx.msk [tilespmem:v5+s15+$0x0], $0xffff;
	[tilespmem:s9+$0x100] =	vst v7  }
0x1e3: {  	s13 =	sor.u32 $0x20, s29;
	v14 =	vadd.s32 $0x4200, v9;
	v6 =	vadd.s32 $0x4300, v9;
	v4 =	vshll.u32 v12, $0x3;
	[tilespmem:s10+$0x100] =	vst v8;
	v10 =	vld.idx.msk [tilespmem:v10+s15+$0x0], $0xffff  }
0x1e4: {  	s4 =	sor.u32 s13, s16;
	v4 =	vand.u32 $0xFFFFFC00, v4;
	v8 =	vadd.s32 $0x4280, v9;
	v7 =	vand.u32 $0x7F, v12;
	v11 =	vld.idx.msk [tilespmem:v11+s15+$0x0], $0xffff  }
0x1e5: {  	v12 =	vld [tilespmem:s4+$0x0];
	[tilespmem:s1+$0x100] =	vst v2;
	v2 =	vor.u32 v7, v4;
	v4 =	vadd.s32 $0x4380, v9;
	v9 =	vshll.u32 v16, $0x3  }
0x1e6: {  	v16 =	vand.u32 $0x7F, v16;
	v13 =	vld.idx.msk [tilespmem:v13+s15+$0x0], $0xffff;
	v21 =	vadd.s32 $0x4000, v2;
	v9 =	vand.u32 $0xFFFFFC00, v9  }
0x1e7: {  	p0 =	por $0x0, $0x0;
	s3 =	simm.s32 $0x1;
	v20 =	vadd.s32 $0x4200, v3;
	[tilespmem:s14+$0x100] =	vst v5;
	v9 =	vor.u32 v16, v9  }
0x1e8: {  	s3 =	simm.s32 @!p0 $0x0;
	v25 =	vadd.s32 $0x4280, v1;
	v31 =	vadd.s32 $0x4280, v0;
	v15 =	vld.idx.msk [tilespmem:v15+s15+$0x0], $0xffff;
	v29 =	vadd.s32 $0x4000, v9;
	[tilespmem:s9+$0x180] =	vst v10  }
0x1e9: {  	s19 =	sshll.u32 s3, $0x6;
	v7 =	vadd.s32 $0x4280, v3;
	v5 =	vadd.s32 $0x4300, v3;
	v3 =	vadd.s32 $0x4380, v3;
	[tilespmem:s10+$0x180] =	vst v11;
	v10 =	vld.idx.msk [tilespmem:v17+s15+$0x0], $0xffff  }
0x1ea: {  	s16 =	sadd.s32 $0x0, s19;
	v11 =	vshll.u32 v12, $0x3;
	v12 =	vand.u32 $0x7F, v12;
	v17 =	vshll.u32 v18, $0x3;
	v27 =	vld.idx.msk [tilespmem:v19+s15+$0x0], $0xffff  }
0x1eb: {  	s20 =	sadd.s32 $0x10, s16;
	s2 =	sadd.s32 $0x30, s16;
	s18 =	sadd.s32 $0x20, s16;
	v11 =	vand.u32 $0xFFFFFC00, v11;
	v18 =	vand.u32 $0x7F, v18;
	v16 =	vand.u32 $0xFFFFFC00, v17;
	v17 =	vld.idx.msk [tilespmem:v21+s15+$0x0], $0xffff;
	[tilespmem:s1+$0x180] =	vst v13  }
0x1ec: {  	s26 =	sor.u32 $0x200, s16;
	s30 =	sor.u32 $0x280, s16;
	s3 =	sor.u32 $0x300, s16;
	v19 =	vadd.s32 $0x4080, v2;
	v12 =	vor.u32 v12, v11;
	v13 =	vor.u32 v18, v16;
	v23 =	vld.idx.msk [tilespmem:v14+s15+$0x0], $0xffff  }
0x1ed: {  	s17 =	sor.u32 $0x200, s20;
	s25 =	sor.u32 $0x200, s2;
	s8 =	sor.u32 $0x280, s20;
	v26 =	vadd.s32 $0x4000, v12;
	v22 =	vadd.s32 $0x4080, v12;
	[tilespmem:s14+$0x180] =	vst v15;
	v28 =	vadd.s32 $0x4000, v13;
	v30 =	vld.idx.msk [tilespmem:v29+s15+$0x0], $0xffff  }
0x1ee: {  	s6 =	sor.u32 $0x300, s20;
	s0 =	sor.u32 $0x380, s20;
	s4 =	simm.s32 $0x80;
	v16 =	vadd.s32 $0x4100, v12;
	v14 =	vadd.s32 $0x4180, v12;
	v11 =	vadd.s32 $0x4200, v12;
	v24 =	vld.idx.msk [tilespmem:v20+s15+$0x0], $0xffff;
	[tilespmem:s25+$0x14800] =	vst v10  }
0x1ef: {  	s10 =	simm.s32 $0x4;
	s9 =	sor.u32 $0x280, s18;
	s1 =	sor.u32 $0x300, s18;
	v21 =	vadd.s32 $0x4080, v13;
	v18 =	vadd.s32 $0x4100, v13;
	v15 =	vadd.s32 $0x4180, v13;
	[tilespmem:s26+$0x14800] =	vst v27;
	v25 =	vld.idx.msk [tilespmem:v25+s15+$0x0], $0xffff  }
0x1f0: {  	s14 =	sor.u32 $0x200, s18;
	v29 =	vadd.s32 $0x4300, v1;
	v20 =	vadd.s32 $0x4280, v13;
	v10 =	vadd.s32 $0x4200, v13;
	s25 =	sor.u32 $0x380, s18;
	s26 =	sor.u32 $0x380, s16;
	v27 =	vld.idx.msk [tilespmem:v31+s15+$0x0], $0xffff  }
.LBB2_9:
0x1f1: {  	v31 =	vld [tilespmem:s4+$0x0];
	v32 =	vadd.s32 $0x4300, v13;
	v33 =	vadd.s32 $0x4280, v12;
	v34 =	vadd.s32 $0x4080, v9;
	s24 =	sadd.s32 $0x200, s24  }
0x1f2: {  	v13 =	vadd.s32 $0x4380, v13;
	v35 =	vadd.s32 $0x4300, v12;
	v12 =	vadd.s32 $0x4380, v12;
	s16 =	sand.u32 $0x3C00, s24;
	v28 =	vld.idx.msk [tilespmem:v28+s15+$0x0], $0xffff;
	[tilespmem:s17+$0x14800] =	vst v23  }
0x1f3: {  	s19 =	sor.u32 $0x280, s2;
	s16 =	sadd.s32 $0x14800, s16;
	v23 =	vld.idx.msk [tilespmem:v26+s15+$0x0], $0xffff;
	[tilespmem:s14+$0x14800] =	vst v24  }
0x1f4: {  	s14 =	sor.u32 s29, s16;
	s17 =	sor.u32 s21, s16;
	s18 =	sor.u32 s7, s16;
	v24 =	vld.idx.msk [tilespmem:v8+s15+$0x0], $0xffff;
	[tilespmem:s19+$0x14800] =	vst v25;
	v8 =	vmov v20  }
0x1f5: {  	s16 =	sor.u32 s13, s16;
	[tilespmem:s18+$0x0] =	vst v30;
	v20 =	vld.idx.msk [tilespmem:v29+s15+$0x0], $0xffff  }
0x1f6: {  	[tilespmem:s14+$0x0] =	vst v17;
	v17 =	vld.idx.msk [tilespmem:v34+s15+$0x0], $0xffff  }
0x1f7: {  	v25 =	vadd.s32 $0x4380, v1;
	v1 =	vmov v9;
	v19 =	vld.idx.msk [tilespmem:v19+s15+$0x0], $0xffff;
	[tilespmem:s30+$0x14800] =	vst v27  }
0x1f8: {  	v9 =	vadd.s32 $0x4100, v1;
	[tilespmem:s17+$0x0] =	vst v28;
	v26 =	vld.idx.msk [tilespmem:v7+s15+$0x0], $0xffff;
	v7 =	vmov v33  }
0x1f9: {  	v27 =	vadd.s32 $0x4100, v2;
	v21 =	vld.idx.msk [tilespmem:v21+s15+$0x0], $0xffff;
	[tilespmem:s16+$0x0] =	vst v23  }
0x1fa: {  	s7 =	sor.u32 $0x300, s2;
	v22 =	vld.idx.msk [tilespmem:v22+s15+$0x0], $0xffff;
	[tilespmem:s8+$0x14800] =	vst v24  }
0x1fb: {  	v23 =	vld.idx.msk [tilespmem:v6+s15+$0x0], $0xffff;
	[tilespmem:s7+$0x14800] =	vst v20;
	v6 =	vmov v32  }
0x1fc: {  	[tilespmem:s18+$0x80] =	vst v17;
	v17 =	vld.idx.msk [tilespmem:v25+s15+$0x0], $0xffff  }
0x1fd: {  	[tilespmem:s14+$0x80] =	vst v19;
	v9 =	vld.idx.msk [tilespmem:v9+s15+$0x0], $0xffff;
	v19 =	vadd.s32 $0x4300, v0  }
0x1fe: {  	v20 =	vld.idx.msk [tilespmem:v27+s15+$0x0], $0xffff;
	[tilespmem:s9+$0x14800] =	vst v26  }
0x1ff: {  	[tilespmem:s17+$0x80] =	vst v21;
	v21 =	vadd.s32 $0x4180, v1;
	v24 =	vld.idx.msk [tilespmem:v5+s15+$0x0], $0xffff;
	v5 =	vmov v35  }
0x200: {  	v25 =	vadd.s32 $0x4180, v2;
	v18 =	vld.idx.msk [tilespmem:v18+s15+$0x0], $0xffff;
	[tilespmem:s16+$0x80] =	vst v22  }
0x201: {  	s2 =	sor.u32 $0x380, s2;
	v16 =	vld.idx.msk [tilespmem:v16+s15+$0x0], $0xffff;
	[tilespmem:s6+$0x14800] =	vst v23  }
0x202: {  	s28 =	sadd.s32 $0x40, s28;
	v19 =	vld.idx.msk [tilespmem:v19+s15+$0x0], $0xffff;
	[tilespmem:s2+$0x14800] =	vst v17  }
0x203: {  	s10 =	sadd.s32 $0x4, s10;
	s29 =	sand.u32 $0x40, s28;
	[tilespmem:s18+$0x100] =	vst v9;
	v9 =	vld.idx.msk [tilespmem:v4+s15+$0x0], $0xffff;
	v4 =	vmov v13  }
0x204: {  	p1 =	slt.u32 s10, $0x7C;
	s7 =	sor.u32 $0x30, s29;
	s2 =	sand.u32 $0x780, s28;
	[tilespmem:s14+$0x100] =	vst v20;
	v13 =	vld.idx.msk [tilespmem:v21+s15+$0x0], $0xffff  }
0x205: {  	s21 =	sor.u32 $0x10, s29;
	s13 =	sor.u32 $0x20, s29;
	s6 =	sor.u32 s7, s2;
	v17 =	vld.idx.msk [tilespmem:v25+s15+$0x0], $0xffff;
	[tilespmem:s1+$0x14800] =	vst v24  }
0x206: {  	s1 =	sor.u32 s21, s2;
	s2 =	sor.u32 s13, s2;
	v20 =	vld [tilespmem:s6+$0x0];
	[tilespmem:s17+$0x100] =	vst v18;
	v18 =	vadd.s32 $0x4200, v1  }
0x207: {  	v23 =	vadd.s32 $0x4200, v2;
	v21 =	vshll.u32 v31, $0x3;
	v22 =	vld [tilespmem:s1+$0x0];
	[tilespmem:s16+$0x100] =	vst v16  }
0x208: {  	v21 =	vand.u32 $0xFFFFFC00, v21;
	v16 =	vand.u32 $0x7F, v31;
	v24 =	vld [tilespmem:s2+$0x0];
	[tilespmem:s3+$0x14800] =	vst v19  }
0x209: {  	v19 =	vadd.s32 $0x4380, v0;
	v0 =	vmov v2;
	v2 =	vor.u32 v16, v21;
	v15 =	vld.idx.msk [tilespmem:v15+s15+$0x0], $0xffff;
	[tilespmem:s0+$0x14800] =	vst v9  }
0x20a: {  	p0 =	por !p0, !p0;
	v16 =	vadd.s32 $0x4000, v2;
	s0 =	simm.s32 $0x1;
	v14 =	vld.idx.msk [tilespmem:v14+s15+$0x0], $0xffff;
	[tilespmem:s18+$0x180] =	vst v13  }
0x20b: {  	s0 =	simm.s32 @!p0 $0x0;
	v9 =	vshll.u32 v20, $0x3;
	[tilespmem:s14+$0x180] =	vst v17;
	v18 =	vld.idx.msk [tilespmem:v18+s15+$0x0], $0xffff  }
0x20c: {  	v17 =	vand.u32 $0x7F, v20;
	s0 =	sshll.u32 s0, $0x6;
	v13 =	vshll.u32 v22, $0x3;
	v9 =	vand.u32 $0xFFFFFC00, v9;
	v20 =	vld.idx.msk [tilespmem:v23+s15+$0x0], $0xffff  }
0x20d: {  	v25 =	vadd.s32 $0x4280, v1;
	s18 =	sadd.s32 s0, s24;
	v21 =	vshll.u32 v24, $0x3;
	v9 =	vor.u32 v17, v9;
	v27 =	vld.idx.msk [tilespmem:v3+s15+$0x0], $0xffff;
	v3 =	vmovc v12  }
0x20e: {  	v12 =	vand.u32 $0xFFFFFC00, v13;
	s19 =	sadd.s32 $0x20, s18;
	v21 =	vand.u32 $0xFFFFFC00, v21;
	v29 =	vadd.s32 $0x4000, v9;
	v31 =	vld.idx.msk [tilespmem:v19+s15+$0x0], $0xffff  }
0x20f: {  	v32 =	vadd.s32 $0x4280, v0;
	v13 =	vand.u32 $0x7F, v22;
	s0 =	sadd.s32 $0x10, s18;
	s2 =	sadd.s32 $0x30, s18;
	s14 =	sor.u32 $0x200, s19;
	v17 =	vld.idx.msk [tilespmem:v16+s15+$0x0], $0xffff;
	v16 =	vand.u32 $0x7F, v24;
	[tilespmem:s17+$0x180] =	vst v15  }
.Ltmp3:
0x210: {  	v19 =	vadd.s32 $0x4080, v2;
	v13 =	vor.u32 v13, v12;
	s1 =	sor.u32 $0x200, s2;
	s17 =	sor.u32 $0x200, s0;
	v12 =	vor.u32 v16, v21;
	v23 =	vld.idx.msk [tilespmem:v10+s15+$0x0], $0xffff;
	[tilespmem:s16+$0x180] =	vst v14;
	(pc) =	sbr.rel @p1 .LBB2_9-.Ltmp3, $4  }
0x211: {  	s3 =	sor.u32 $0x200, s18;
	s8 =	sor.u32 $0x280, s0;
	s9 =	sor.u32 $0x280, s19;
	v28 =	vadd.s32 $0x4000, v13;
	v21 =	vadd.s32 $0x4080, v13;
	v26 =	vadd.s32 $0x4000, v12;
	v24 =	vld.idx.msk [tilespmem:v11+s15+$0x0], $0xffff;
	[tilespmem:s1+$0x14800] =	vst v18  }
0x212: {  	s30 =	sor.u32 $0x280, s18;
	s6 =	sor.u32 $0x300, s0;
	v18 =	vadd.s32 $0x4100, v13;
	v22 =	vadd.s32 $0x4080, v12;
	v16 =	vadd.s32 $0x4100, v12;
	s1 =	sor.u32 $0x300, s19;
	[tilespmem:s3+$0x14800] =	vst v20;
	v25 =	vld.idx.msk [tilespmem:v25+s15+$0x0], $0xffff  }
0x213: {  	v15 =	vadd.s32 $0x4180, v13;
	s0 =	sor.u32 $0x380, s0;
	v10 =	vadd.s32 $0x4200, v13;
	v14 =	vadd.s32 $0x4180, v12;
	s3 =	sor.u32 $0x300, s18;
	v30 =	vld.idx.msk [tilespmem:v29+s15+$0x0], $0xffff;
	[tilespmem:s25+$0x14800] =	vst v27;
	s25 =	sor.u32 $0x380, s19  }
0x214: {  	s4 =	sadd.s32 $0x40, s4;
	v11 =	vadd.s32 $0x4200, v12;
	v20 =	vadd.s32 $0x4280, v13;
	v29 =	vadd.s32 $0x4300, v1;
	v27 =	vld.idx.msk [tilespmem:v32+s15+$0x0], $0xffff;
	[tilespmem:s26+$0x14800] =	vst v31;
	s26 =	sor.u32 $0x380, s18  }
0x215: {  	_ =	sdelay $0x2  }
0x216: {  	v31 =	vadd.s32 $0x4080, v9;
	s4 =	sadd.s32 $0x200, s24  }
0x217: {  	v28 =	vld.idx.msk [tilespmem:v28+s15+$0x0], $0xffff;
	s10 =	sand.u32 $0x3C00, s4  }
0x218: {  	v26 =	vld.idx.msk [tilespmem:v26+s15+$0x0], $0xffff;
	s10 =	sadd.s32 $0x14800, s10  }
0x219: {  	s7 =	sor.u32 s7, s10  }
0x21a: {  	s16 =	sor.u32 s21, s10;
	s13 =	sor.u32 s13, s10;
	s10 =	sor.u32 s29, s10;
	[tilespmem:s7+$0x0] =	vst v30  }
0x21b: {  	[tilespmem:s10+$0x0] =	vst v17;
	v30 =	vld.idx.msk [tilespmem:v31+s15+$0x0], $0xffff  }
0x21c: {  	v63 =	vadd.s32 $0x4100, v9;
	[tilespmem:s16+$0x0] =	vst v28;
	v19 =	vld.idx.msk [tilespmem:v19+s15+$0x0], $0xffff  }
0x21d: {  	[tilespmem:s13+$0x0] =	vst v26;
	v31 =	vadd.s32 $0x4100, v2;
	v21 =	vld.idx.msk [tilespmem:v21+s15+$0x0], $0xffff  }
0x21e: {  	[tilespmem:s17+$0x14800] =	vst v23;
	v26 =	vld.idx.msk [tilespmem:v22+s15+$0x0], $0xffff  }
0x21f: {  	[tilespmem:s14+$0x14800] =	vst v24  }
0x220: {  	[tilespmem:s7+$0x80] =	vst v30  }
0x221: {  	[tilespmem:s10+$0x80] =	vst v19;
	v32 =	vld.idx.msk [tilespmem:v63+s15+$0x0], $0xffff  }
0x222: {  	v33 =	vadd.s32 $0x4180, v9;
	[tilespmem:s16+$0x80] =	vst v21;
	v34 =	vld.idx.msk [tilespmem:v31+s15+$0x0], $0xffff  }
0x223: {  	s20 =	sor.u32 $0x280, s2;
	v35 =	vadd.s32 $0x4180, v2;
	[tilespmem:s13+$0x80] =	vst v26;
	v18 =	vld.idx.msk [tilespmem:v18+s15+$0x0], $0xffff  }
0x224: {  	[tilespmem:s20+$0x14800] =	vst v25;
	v16 =	vld.idx.msk [tilespmem:v16+s15+$0x0], $0xffff  }
0x225: {  	v8 =	vld.idx.msk [tilespmem:v8+s15+$0x0], $0xffff;
	[tilespmem:s30+$0x14800] =	vst v27  }
0x226: {  	v7 =	vld.idx.msk [tilespmem:v7+s15+$0x0], $0xffff;
	[tilespmem:s7+$0x100] =	vst v32  }
0x227: {  	[tilespmem:s10+$0x100] =	vst v34;
	v21 =	vld.idx.msk [tilespmem:v33+s15+$0x0], $0xffff  }
0x228: {  	v37 =	vadd.s32 $0x4200, v9;
	[tilespmem:s16+$0x100] =	vst v18;
	v38 =	vld.idx.msk [tilespmem:v35+s15+$0x0], $0xffff  }
0x229: {  	v39 =	vadd.s32 $0x4200, v2;
	[tilespmem:s13+$0x100] =	vst v16;
	v15 =	vld.idx.msk [tilespmem:v15+s15+$0x0], $0xffff  }
0x22a: {  	[tilespmem:s8+$0x14800] =	vst v8;
	v14 =	vld.idx.msk [tilespmem:v14+s15+$0x0], $0xffff  }
0x22b: {  	v36 =	vld.idx.msk [tilespmem:v29+s15+$0x0], $0xffff;
	[tilespmem:s9+$0x14800] =	vst v7  }
0x22c: {  	p0 =	por !p0, !p0;
	v46 =	vadd.s32 $0x4300, v0;
	v6 =	vld.idx.msk [tilespmem:v6+s15+$0x0], $0xffff;
	[tilespmem:s7+$0x180] =	vst v21;
	s7 =	simm.s32 $0x1  }
0x22d: {  	[tilespmem:s10+$0x180] =	vst v38;
	v40 =	vld.idx.msk [tilespmem:v37+s15+$0x0], $0xffff;
	s7 =	simm.s32 @!p0 $0x0  }
0x22e: {  	v41 =	vadd.s32 $0x4280, v9;
	[tilespmem:s16+$0x180] =	vst v15;
	v44 =	vld.idx.msk [tilespmem:v39+s15+$0x0], $0xffff;
	s7 =	sshll.u32 s7, $0x6  }
0x22f: {  	v45 =	vadd.s32 $0x4280, v2;
	s21 =	sor.u32 $0x300, s2;
	[tilespmem:s13+$0x180] =	vst v14;
	v10 =	vld.idx.msk [tilespmem:v10+s15+$0x0], $0xffff;
	s4 =	sadd.s32 s7, s4  }
0x230: {  	[tilespmem:s21+$0x14800] =	vst v36;
	v42 =	vld.idx.msk [tilespmem:v11+s15+$0x0], $0xffff;
	s7 =	sadd.s32 $0x30, s4  }
0x231: {  	v43 =	vadd.s32 $0x4280, v12;
	v53 =	vld.idx.msk [tilespmem:v46+s15+$0x0], $0xffff;
	[tilespmem:s6+$0x14800] =	vst v6;
	s24 =	sor.u32 $0x200, s7  }
0x232: {  	v55 =	vadd.s32 $0x4380, v0;
	v5 =	vld.idx.msk [tilespmem:v5+s15+$0x0], $0xffff;
	s6 =	sadd.s32 $0x10, s4;
	s30 =	sor.u32 $0x200, s4;
	[tilespmem:s24+$0x14800] =	vst v40  }
0x233: {  	s9 =	sadd.s32 $0x20, s4;
	s28 =	sor.u32 $0x200, s6;
	[tilespmem:s30+$0x14800] =	vst v44;
	v15 =	vld.idx.msk [tilespmem:v41+s15+$0x0], $0xffff  }
0x234: {  	v47 =	vadd.s32 $0x4300, v9;
	s29 =	sor.u32 $0x200, s9;
	[tilespmem:s28+$0x14800] =	vst v10;
	v52 =	vld.idx.msk [tilespmem:v45+s15+$0x0], $0xffff  }
0x235: {  	v54 =	vadd.s32 $0x4300, v2;
	[tilespmem:s29+$0x14800] =	vst v42;
	v48 =	vld.idx.msk [tilespmem:v20+s15+$0x0], $0xffff  }
0x236: {  	v49 =	vadd.s32 $0x4300, v13;
	[tilespmem:s3+$0x14800] =	vst v53;
	v50 =	vld.idx.msk [tilespmem:v43+s15+$0x0], $0xffff  }
0x237: {  	v51 =	vadd.s32 $0x4300, v12;
	v0 =	vld.idx.msk [tilespmem:v55+s15+$0x0], $0xffff;
	[tilespmem:s1+$0x14800] =	vst v5;
	s14 =	sor.u32 $0x280, s7  }
0x238: {  	v1 =	vadd.s32 $0x4380, v1;
	v4 =	vld.idx.msk [tilespmem:v4+s15+$0x0], $0xffff;
	s18 =	sor.u32 $0x280, s4;
	[tilespmem:s14+$0x14800] =	vst v15  }
0x239: {  	s16 =	sor.u32 $0x280, s6;
	[tilespmem:s18+$0x14800] =	vst v52;
	v10 =	vld.idx.msk [tilespmem:v47+s15+$0x0], $0xffff  }
0x23a: {  	v56 =	vadd.s32 $0x4380, v9;
	s17 =	sor.u32 $0x280, s9;
	[tilespmem:s16+$0x14800] =	vst v48;
	v5 =	vld.idx.msk [tilespmem:v54+s15+$0x0], $0xffff  }
0x23b: {  	v61 =	vadd.s32 $0x4380, v2;
	[tilespmem:s17+$0x14800] =	vst v50;
	v57 =	vld.idx.msk [tilespmem:v49+s15+$0x0], $0xffff  }
0x23c: {  	v58 =	vadd.s32 $0x4380, v13;
	[tilespmem:s26+$0x14800] =	vst v0;
	v59 =	vld.idx.msk [tilespmem:v51+s15+$0x0], $0xffff  }
0x23d: {  	v60 =	vadd.s32 $0x4380, v12;
	v1 =	vld.idx.msk [tilespmem:v1+s15+$0x0], $0xffff;
	[tilespmem:s0+$0x14800] =	vst v4;
	s19 =	sor.u32 $0x300, s7  }
0x23e: {  	v3 =	vld.idx.msk [tilespmem:v3+s15+$0x0], $0xffff;
	s24 =	sor.u32 $0x300, s4;
	[tilespmem:s19+$0x14800] =	vst v10  }
0x23f: {  	s20 =	sor.u32 $0x300, s6;
	[tilespmem:s24+$0x14800] =	vst v5;
	v62 =	vld.idx.msk [tilespmem:v56+s15+$0x0], $0xffff  }
0x240: {  	s21 =	sor.u32 $0x300, s9;
	[tilespmem:s20+$0x14800] =	vst v57;
	v2 =	vld.idx.msk [tilespmem:v61+s15+$0x0], $0xffff  }
0x241: {  	s13 =	sor.u32 $0x380, s2;
	[tilespmem:s21+$0x14800] =	vst v59;
	v63 =	vld.idx.msk [tilespmem:v58+s15+$0x0], $0xffff  }
0x242: {  	s22 =	sadd.s32 $0x1, s22;
	[tilespmem:s13+$0x14800] =	vst v1;
	v1 =	vld.idx.msk [tilespmem:v60+s15+$0x0], $0xffff  }
0x243: {  	[tilespmem:s25+$0x14800] =	vst v3;
	p0 =	sne.s32 s22, $0x8;
	s25 =	sor.u32 $0x380, s7  }
.Ltmp4:
0x244: {  	s29 =	sor.u32 $0x380, s4;
	[tilespmem:s25+$0x14800] =	vst v62;
	(pc) =	sbr.rel @p0 .LBB2_2-.Ltmp4, $4  }
0x245: {  	s26 =	sor.u32 $0x380, s6;
	[tilespmem:s29+$0x14800] =	vst v2  }
0x246: {  	s28 =	sor.u32 $0x380, s9;
	[tilespmem:s26+$0x14800] =	vst v63  }
0x247: {  	s30 =	sadd.s32 s11, s23;
	[tilespmem:s28+$0x14800] =	vst v1  }
0x248: {  	[hbm4b:s30+s5] =	stream.linear.scatter [tilespmem:s31], [sflag:$0x4], $0x4000, $0x38;
	[tilespmem:$0x18800] =	vst v63  }
0x249: {  	s0 =	simm.s32 $0x3  }
0x24a: {  	_ =	swait.ge [sflag:s0], $0x4000  }
0x24b: {  	[sflag:s0] =	ssyncset.done $0x0  }
0x24c: {  	s1 =	simm.s32 $0x4;
	[sflag:s0] =	ssyncadd.s32 $0xFFFFC000  }
0x24d: {  	_ =	swait.ge [sflag:s1], $0x4000  }
0x24e: {  	s2 =	rddreg [dreg:$0x9]  }
0x24f: {  	s31 =	rddreg [dreg:$0x8];
	s2 =	sadd.s32 $0x1, s2  }
0x250: {  	p0 =	sne.s32 s2, s31  }
.Ltmp5:
0x251: {  	_ = 	snop;
	(pc) =	sbr.rel @p0 .LBB2_1-.Ltmp5, $3  }
0x252: {  	_ =	sdelay $0x1  }
0x253: {  	[sflag:s1] =	ssyncset.done $0x0  }
0x254: {  	[sflag:s1] =	ssyncadd.s32 $0xFFFFC000  }
0x255: {  	_ =	sfence.sel $0x180000  }
0x256: {  	[bflag:$0x0] =	sbarrier.arrive $0xFFFF  }
0x257: {  	_ =	strace $0x90000047  }
0x258: {  	s0 =	stileid.u32;
	[bflag:$0x2] =	sbarrier.arrive $0xFFFF  }
0x259: {  	p0 =	sne.s32 s0, $0x0;
	s0 =	rddreg [dreg:$0x3]  }
0x25a: {  	s0 =	sadd.s32 @!p0 $0x100000, s0  }
0x25b: {  	[sflag:s0] =	ssyncadd.tile.s32 @!p0 $0x1;
	_ =	shalt  }
.Lfunc_end2:
_tile_overlayer_lowered:
.L_overlay_start_2:
0x25c: {  	(tag) =	ssettag $0x2  }
0x25d: {  	s0 =	rddreg [dreg:$0x0];
	s2 =	stileid.u32  }
0x25e: {  	s1 =	rddreg [dreg:$0x1];
	p0 =	sne.s32 s2, $0x0  }
0x25f: {  	s3 =	rddreg [dreg:$0x2];
	[bflag:$0x3] =	sbarrier.arrive $0xFFFF;
	s2 =	simm.s32 @!p0 $0x1C05  }
0x260: {  	[timem:s3], [sflag:s2] =	dma.local @!p0 [hbm:s0], s1  }
0x261: {  	s0 =	simm.s32 @!p0 $0x5  }
0x262: {  	_ =	swait.ge @!p0 [sflag:s0], s1  }
0x263: {  	s1 =	ssub.s32 @!p0 $0x0, s1;
	[sflag:s0] =	ssyncset.done @!p0 $0x0  }
0x264: {  	[sflag:s0] =	ssyncadd.s32 @!p0 s1  }
0x265: {  	[bflag:$0x3] =	sbarrier.arrive $0xFFFF  }
0x266: {  	_ =	shalt  }

</sc_bundles>
